<compile_context>
chip_gen: v7x
topology: tpu7x:2x2x1
jax: 0.10.2.dev20260603
libtpu: 0.0.44.dev20260713+nightly
codegen_flags: <defaults>
</compile_context>

<pallas_src>
import jax
import jax.numpy as jnp
from jax import lax
from jax.experimental import pallas as pl
from jax.experimental.pallas import tpu as pltpu
from jax.experimental.pallas import tpu_sc as plsc

H_IMG = 128
W_IMG = 128
TANX = 0.5
TANY = 0.5
N_GAUSS = 1024
NPARAM = 16

TILE = 16
NTILES = (H_IMG // TILE) * (W_IMG // TILE)
TPIX = TILE * TILE
G_CHUNK = 128

BIG_KEY = 1e30
ALPHA_MIN = 1.0 / 255.0


def _bf(v):
    return v.astype(jnp.bfloat16).astype(jnp.float32)


def _preprocess_kernel(m_ref, op_ref, col_ref, sc_ref, rot_ref,
                       params_ref, radii_ref):
    fx = W_IMG / (2.0 * TANX)
    fy = H_IMG / (2.0 * TANY)

    tx0 = _bf(m_ref[:, 0:1])
    ty0 = _bf(m_ref[:, 1:2])
    tz = _bf(m_ref[:, 2:3]) + 5.0
    valid0 = tz > 0.2
    tzs = jnp.where(valid0, tz, 1.0)

    txtz = jnp.clip(tx0 / tzs, -1.3 * TANX, 1.3 * TANX)
    tytz = jnp.clip(ty0 / tzs, -1.3 * TANY, 1.3 * TANY)
    tx = txtz * tzs
    ty = tytz * tzs

    qr = rot_ref[:, 0:1]; qx = rot_ref[:, 1:2]
    qy = rot_ref[:, 2:3]; qz = rot_ref[:, 3:4]
    qn = jnp.sqrt(qr * qr + qx * qx + qy * qy + qz * qz)
    r = qr / qn; x = qx / qn; y = qy / qn; z = qz / qn
    R00 = 1 - 2 * (y * y + z * z); R01 = 2 * (x * y - r * z); R02 = 2 * (x * z + r * y)
    R10 = 2 * (x * y + r * z); R11 = 1 - 2 * (x * x + z * z); R12 = 2 * (y * z - r * x)
    R20 = 2 * (x * z - r * y); R21 = 2 * (y * z + r * x); R22 = 1 - 2 * (x * x + y * y)

    s0 = sc_ref[:, 0:1]; s1 = sc_ref[:, 1:2]; s2c = sc_ref[:, 2:3]
    v0 = s0 * s0; v1 = s1 * s1; v2 = s2c * s2c
    Rb = [[_bf(R00), _bf(R01), _bf(R02)],
          [_bf(R10), _bf(R11), _bf(R12)],
          [_bf(R20), _bf(R21), _bf(R22)]]
    P = [[_bf(R00 * v0), _bf(R01 * v1), _bf(R02 * v2)],
         [_bf(R10 * v0), _bf(R11 * v1), _bf(R12 * v2)],
         [_bf(R20 * v0), _bf(R21 * v1), _bf(R22 * v2)]]
    S = [[Rb[i][0] * P[k][0] + Rb[i][1] * P[k][1] + Rb[i][2] * P[k][2]
          for k in range(3)] for i in range(3)]

    j00 = _bf(fx / tzs)
    j02 = _bf(-fx * tx / (tzs * tzs))
    j11 = _bf(fy / tzs)
    j12 = _bf(-fy * ty / (tzs * tzs))

    Sb = [[_bf(S[i][k]) for k in range(3)] for i in range(3)]
    t00 = j00 * Sb[0][0] + j02 * Sb[2][0]
    t01 = j00 * Sb[0][1] + j02 * Sb[2][1]
    t02 = j00 * Sb[0][2] + j02 * Sb[2][2]
    t11 = j11 * Sb[1][1] + j12 * Sb[2][1]
    t12 = j11 * Sb[1][2] + j12 * Sb[2][2]
    c00 = _bf(t00) * j00 + _bf(t02) * j02
    c01 = _bf(t01) * j11 + _bf(t02) * j12
    c11 = _bf(t11) * j11 + _bf(t12) * j12

    a = c00 + 0.3
    c = c11 + 0.3
    b = c01
    det = a * c - b * b
    valid = valid0 & (det > 0)
    dets = jnp.where(valid, det, 1.0)
    con_a = c / dets
    con_b = -b / dets
    con_c = a / dets

    mid = 0.5 * (a + c)
    lam1 = mid + jnp.sqrt(jnp.maximum(0.1, mid * mid - det))
    radii = jnp.where(valid, jnp.ceil(3.0 * jnp.sqrt(lam1)), 0.0)
    radii_ref[:, :] = radii.astype(jnp.int32)

    ndc_x = (tx0 / tzs) / TANX
    ndc_y = (ty0 / tzs) / TANY
    px = ((ndc_x + 1.0) * W_IMG - 1.0) * 0.5
    py = ((ndc_y + 1.0) * H_IMG - 1.0) * 0.5

    key = jnp.where(valid, tz, BIG_KEY)
    op_eff = jnp.where(valid, op_ref[:, 0:1], 0.0)

    rr = jnp.maximum(jnp.log(255.0 * jnp.maximum(op_eff, 1e-30)), 0.0)
    visible = op_eff > ALPHA_MIN
    ext_x = jnp.where(visible,
                      jnp.sqrt(jnp.maximum(2.0 * rr * a, 0.0)) + 0.125, -1.0)
    ext_y = jnp.where(visible,
                      jnp.sqrt(jnp.maximum(2.0 * rr * c, 0.0)) + 0.125, -1.0)

    params_ref[:, 0:1] = key
    params_ref[:, 1:2] = px
    params_ref[:, 2:3] = py
    params_ref[:, 3:4] = con_a
    params_ref[:, 4:5] = con_b
    params_ref[:, 5:6] = con_c
    params_ref[:, 6:7] = op_eff
    params_ref[:, 7:8] = col_ref[:, 0:1]
    params_ref[:, 8:9] = col_ref[:, 1:2]
    params_ref[:, 9:10] = col_ref[:, 2:3]
    params_ref[:, 10:11] = ext_x
    params_ref[:, 11:12] = ext_y
    params_ref[:, 12:NPARAM] = jnp.zeros((N_GAUSS, NPARAM - 12), jnp.float32)


def _sort_kernel(params_ref, params_t_ref, sorted_ref, sorted_t_ref):
    key_col = params_ref[:, 0:1]
    key_row = params_t_ref[0:1, :]
    ii = lax.broadcasted_iota(jnp.int32, (N_GAUSS, N_GAUSS), 0)
    jj = lax.broadcasted_iota(jnp.int32, (N_GAUSS, N_GAUSS), 1)
    lt = (key_row < key_col) | ((key_row == key_col) & (jj < ii))
    rank = jnp.sum(lt.astype(jnp.int32), axis=1, keepdims=True)
    G = (jj == rank).astype(jnp.float32)
    sorted_t_ref[:, :] = lax.dot_general(
        params_t_ref[:, :], G, (((1,), (0,)), ((), ())),
        precision=lax.Precision.HIGHEST,
        preferred_element_type=jnp.float32)
    sorted_ref[:, :] = lax.dot_general(
        G, params_ref[:, :], (((0,), (0,)), ((), ())),
        precision=lax.Precision.HIGHEST,
        preferred_element_type=jnp.float32)


def _cull_kernel(px_hbm, py_hbm, ex_hbm, ey_hbm, hit_out,
                 px_v, py_v, ex_v, ey_v, hit_v):
    wid = lax.axis_index("s") * 2 + lax.axis_index("c")
    pltpu.sync_copy(px_hbm, px_v)
    pltpu.sync_copy(py_hbm, py_v)
    pltpu.sync_copy(ex_hbm, ex_v)
    pltpu.sync_copy(ey_hbm, ey_v)
    one = jnp.ones((16,), jnp.int32)
    zero = jnp.zeros((16,), jnp.int32)
    for tloc in range(2):
        t = wid * 2 + tloc
        txmin = lax.broadcast((t % 8) * TILE, (16,)).astype(jnp.float32)
        tymin = lax.broadcast((t // 8) * TILE, (16,)).astype(jnp.float32)
        txmax = txmin + (TILE - 1.0)
        tymax = tymin + (TILE - 1.0)

        def step(k, carry):
            sl = pl.ds(k * 16, 16)
            pxv = px_v[sl]; pyv = py_v[sl]
            exv = ex_v[sl]; eyv = ey_v[sl]
            hit = ((pxv - exv <= txmax) & (pxv + exv >= txmin) &
                   (pyv - eyv <= tymax) & (pyv + eyv >= tymin))
            hit_v[sl] = jnp.where(hit, one, zero)
            return carry

        lax.fori_loop(0, N_GAUSS // 16, step, 0)
        pltpu.sync_copy(hit_v, hit_out.at[t])


def _binprep_kernel(hit_ref, pos_ref, nch_ref):
    hf = hit_ref[:, :].astype(jnp.float32)
    ia = lax.broadcasted_iota(jnp.int32, (N_GAUSS, N_GAUSS), 0)
    ja = lax.broadcasted_iota(jnp.int32, (N_GAUSS, N_GAUSS), 1)
    U = (ia < ja).astype(jnp.float32)
    pos = lax.dot(hf, U, preferred_element_type=jnp.float32)
    cnt = pos[:, N_GAUSS - 1:N_GAUSS] + hf[:, N_GAUSS - 1:N_GAUSS]
    nch_ref[:, :] = (cnt.astype(jnp.int32) + (G_CHUNK - 1)) // G_CHUNK
    pos_ref[:, :] = jnp.where(hit_ref[:, :] > 0,
                              pos.astype(jnp.int32), -1)


def _raster_kernel(nch_ref, sorted_ref, pos_ref, img_ref):
    t = pl.program_id(0)
    txmin = (t % 8) * TILE
    tymin = (t // 8) * TILE
    lp = lax.broadcasted_iota(jnp.int32, (1, TPIX), 1)
    gx = (txmin + lp % TILE).astype(jnp.float32)
    gy = (tymin + lp // TILE).astype(jnp.float32)

    ik = lax.broadcasted_iota(jnp.int32, (G_CHUNK, G_CHUNK), 0)
    ij = lax.broadcasted_iota(jnp.int32, (G_CHUNK, G_CHUNK), 1)
    U2 = (ik > ij).astype(jnp.bfloat16)

    pcol = lax.broadcasted_iota(jnp.int32, (G_CHUNK, 1), 0)

    def body(c, state):
        carry, r_acc, g_acc, b_acc = state
        rel = pos_ref[pl.ds(t, 1), :] - c * G_CHUNK
        onehot = (pcol == rel).astype(jnp.float32)
        g = lax.dot(onehot, sorted_ref[:, :],
                    precision=lax.Precision.HIGHEST,
                    preferred_element_type=jnp.float32)
        px = g[:, 1:2]
        py = g[:, 2:3]
        ca = g[:, 3:4]
        cb = g[:, 4:5]
        cc = g[:, 5:6]
        op = g[:, 6:7]
        colr = _bf(g[:, 7:8])
        colg = _bf(g[:, 8:9])
        colb = _bf(g[:, 9:10])

        dx = px - gx
        dy = py - gy
        power = -0.5 * (ca * dx * dx + cc * dy * dy) - cb * dx * dy
        al = op * jnp.exp(jnp.minimum(power, 0.0))
        al = jnp.where(power <= 0.0, jnp.minimum(al, 0.99), 0.0)
        al = jnp.where(al >= ALPHA_MIN, al, 0.0)
        s = jnp.log(1.0 - al)
        s_hi = s.astype(jnp.bfloat16)
        s_lo = (s - s_hi.astype(jnp.float32)).astype(jnp.bfloat16)
        excl = (lax.dot(U2, s_hi, preferred_element_type=jnp.float32)
                + lax.dot(U2, s_lo, preferred_element_type=jnp.float32))
        tprev = jnp.exp(excl + carry)
        w = _bf(al * tprev)
        r_acc = r_acc + jnp.sum(w * colr, axis=0, keepdims=True)
        g_acc = g_acc + jnp.sum(w * colg, axis=0, keepdims=True)
        b_acc = b_acc + jnp.sum(w * colb, axis=0, keepdims=True)
        carry = carry + excl[G_CHUNK - 1:G_CHUNK, :] + s[G_CHUNK - 1:G_CHUNK, :]
        return carry, r_acc, g_acc, b_acc

    zeros = jnp.zeros((1, TPIX), jnp.float32)
    nch = nch_ref[t]
    _, r_acc, g_acc, b_acc = lax.fori_loop(
        0, nch, body, (zeros, zeros, zeros, zeros))
    img_ref[0:1, :] = r_acc
    img_ref[1:2, :] = g_acc
    img_ref[2:3, :] = b_acc


def _make_cull():
    return pl.kernel(
        _cull_kernel,
        mesh=plsc.VectorSubcoreMesh(core_axis_name="c", subcore_axis_name="s"),
        out_type=jax.ShapeDtypeStruct((NTILES, N_GAUSS), jnp.int32),
        scratch_types=[
            pltpu.VMEM((N_GAUSS,), jnp.float32),
            pltpu.VMEM((N_GAUSS,), jnp.float32),
            pltpu.VMEM((N_GAUSS,), jnp.float32),
            pltpu.VMEM((N_GAUSS,), jnp.float32),
            pltpu.VMEM((N_GAUSS,), jnp.int32),
        ],
    )


@jax.jit
def kernel(means3D, means2D, opacities, colors_precomp, scales, rotations,
           backward_mask):
    del means2D, backward_mask
    params, radii = pl.pallas_call(
        _preprocess_kernel,
        out_shape=(
            jax.ShapeDtypeStruct((N_GAUSS, NPARAM), jnp.float32),
            jax.ShapeDtypeStruct((N_GAUSS, 1), jnp.int32),
        ),
    )(means3D, opacities, colors_precomp, scales, rotations)

    params_t = params.T

    sorted_p, sorted_t = pl.pallas_call(
        _sort_kernel,
        out_shape=(
            jax.ShapeDtypeStruct((N_GAUSS, NPARAM), jnp.float32),
            jax.ShapeDtypeStruct((NPARAM, N_GAUSS), jnp.float32),
        ),
    )(params, params_t)

    hit = _make_cull()(sorted_t[1], sorted_t[2], sorted_t[10], sorted_t[11])

    pos, nch = pl.pallas_call(
        _binprep_kernel,
        out_shape=(
            jax.ShapeDtypeStruct((NTILES, N_GAUSS), jnp.int32),
            jax.ShapeDtypeStruct((NTILES, 1), jnp.int32),
        ),
    )(hit)

    img = pl.pallas_call(
        _raster_kernel,
        grid_spec=pltpu.PrefetchScalarGridSpec(
            num_scalar_prefetch=1,
            grid=(NTILES,),
            in_specs=[
                pl.BlockSpec((N_GAUSS, NPARAM), lambda i, *_: (0, 0)),
                pl.BlockSpec((NTILES, N_GAUSS), lambda i, *_: (0, 0)),
            ],
            out_specs=pl.BlockSpec((3, TPIX), lambda i, *_: (0, i)),
        ),
        out_shape=jax.ShapeDtypeStruct((3, NTILES * TPIX), jnp.float32),
    )(nch.reshape(NTILES), sorted_p, pos)

    color = (img.reshape(3, 8, 8, TILE, TILE).transpose(0, 1, 3, 2, 4)
             .reshape(3, H_IMG, W_IMG))
    return color, radii.reshape(N_GAUSS)

# --- scband reference (transcript-rebuilt; emitter-appended) ---
"""Pipeline reference for scband-gaussian-rasterizer-36962488549448 (READ-ONLY COPY).

The authoritative reference and input builder live on the scoring server;
editing this copy changes nothing except your own understanding.
"""

import math
import jax, jax.numpy as jnp
import numpy as np

H_IMG = 128
W_IMG = 128
TANX = 0.5
TANY = 0.5
SCALE_MODIFIER = 1.0
VIEW = jnp.array([[1.,0.,0.,0.],[0.,1.,0.,0.],[0.,0.,1.,5.],[0.,0.,0.,1.]], dtype=jnp.float32)
BG = jnp.array([0.,0.,0.], dtype=jnp.float32)
N_GAUSS = 1024


def quat_to_rot(q):
    q = q / jnp.linalg.norm(q, axis=1, keepdims=True)
    r, x, y, z = q[:,0], q[:,1], q[:,2], q[:,3]
    R = jnp.stack([
        1-2*(y*y+z*z), 2*(x*y-r*z), 2*(x*z+r*y),
        2*(x*y+r*z), 1-2*(x*x+z*z), 2*(y*z-r*x),
        2*(x*z-r*y), 2*(y*z+r*x), 1-2*(x*x+y*y)], axis=1).reshape(-1,3,3)
    return R


def rasterize_core(means3D, opacities, colors, scales, rotations):
    N = means3D.shape[0]
    # 3D covariance from scale + rotation (computeCov3D)
    s = scales * SCALE_MODIFIER
    R = quat_to_rot(rotations)
    Sigma = jnp.einsum('nij,nj,nkj->nik', R, s*s, R)
    # world -> view
    ph = jnp.concatenate([means3D, jnp.ones((N,1), means3D.dtype)], axis=1)
    t = ph @ VIEW.T
    tz = t[:,2]
    valid = tz > 0.2
    tzs = jnp.where(valid, tz, 1.0)
    # frustum-clamped Jacobian inputs (EWA splatting, computeCov2D)
    txtz = jnp.clip(t[:,0]/tzs, -1.3*TANX, 1.3*TANX)
    tytz = jnp.clip(t[:,1]/tzs, -1.3*TANY, 1.3*TANY)
    tx = txtz * tzs
    ty = tytz * tzs
    fx = W_IMG / (2.0*TANX)
    fy = H_IMG / (2.0*TANY)
    zero = jnp.zeros_like(tzs)
    J = jnp.stack([
        jnp.stack([fx/tzs, zero, -fx*tx/(tzs*tzs)], axis=1),
        jnp.stack([zero, fy/tzs, -fy*ty/(tzs*tzs)], axis=1)], axis=1)
    Wr = VIEW[:3,:3]
    M = jnp.einsum('nij,jk->nik', J, Wr)
    cov2d = jnp.einsum('nij,njk,nlk->nil', M, Sigma, M)
    a = cov2d[:,0,0] + 0.3
    c = cov2d[:,1,1] + 0.3
    b = cov2d[:,0,1]
    det = a*c - b*b
    valid = valid & (det > 0)
    dets = jnp.where(valid, det, 1.0)
    con_a = c/dets; con_b = -b/dets; con_c = a/dets
    mid = 0.5*(a+c)
    lam1 = mid + jnp.sqrt(jnp.maximum(0.1, mid*mid - det))
    radii = jnp.where(valid, jnp.ceil(3.0*jnp.sqrt(lam1)), 0.0).astype(jnp.int32)
    # ndc2Pix
    ndc_x = (t[:,0]/tzs)/TANX
    ndc_y = (t[:,1]/tzs)/TANY
    px = ((ndc_x + 1.0)*W_IMG - 1.0)*0.5
    py = ((ndc_y + 1.0)*H_IMG - 1.0)*0.5
    # global front-to-back depth sort (replaces tile-local sort)
    depth_key = jnp.where(valid, tz, jnp.inf)
    order = jnp.argsort(depth_key)
    px_s = px[order]; py_s = py[order]
    ca = con_a[order]; cb = con_b[order]; cc = con_c[order]
    op_s = opacities[order, 0]
    col_s = colors[order]
    valid_s = valid[order]
    gy, gx = jnp.meshgrid(jnp.arange(H_IMG, dtype=jnp.float32), jnp.arange(W_IMG, dtype=jnp.float32), indexing='ij')
    gx = gx.reshape(-1); gy = gy.reshape(-1)
    dx = px_s[None,:] - gx[:,None]
    dy = py_s[None,:] - gy[:,None]
    power = -0.5*(ca[None,:]*dx*dx + cc[None,:]*dy*dy) - cb[None,:]*dx*dy
    alpha = op_s[None,:]*jnp.exp(power)
    alpha = jnp.where((power <= 0.0) & valid_s[None,:], jnp.minimum(alpha, 0.99), 0.0)
    alpha = jnp.where(alpha >= (1.0/255.0), alpha, 0.0)
    one_m = 1.0 - alpha
    cp = jnp.cumprod(one_m, axis=1)
    P = alpha.shape[0]
    Tprev = jnp.concatenate([jnp.ones((P,1), alpha.dtype), cp[:, :-1]], axis=1)
    w = alpha * Tprev
    img = jnp.einsum('pn,nc->pc', w, col_s)
    Tfinal = cp[:, -1]
    img = img + Tfinal[:, None]*BG[None, :]
    color = img.reshape(H_IMG, W_IMG, 3).transpose(2,0,1)
    return color, radii


def setup_inputs(seed: int = 0):
    key = jax.random.key(seed)
    ks = jax.random.split(key, 6)
    means3D = jax.random.normal(ks[0], (N_GAUSS,3), jnp.float32)
    means2D = jnp.zeros((N_GAUSS,3), jnp.float32)
    opacities = jax.random.uniform(ks[1], (N_GAUSS,1), jnp.float32)
    colors_precomp = jax.random.uniform(ks[2], (N_GAUSS,3), jnp.float32)
    scales = jax.random.uniform(ks[3], (N_GAUSS,3), jnp.float32)*0.05 + 0.005
    rotations = jax.random.normal(ks[4], (N_GAUSS,4), jnp.float32)
    backward_mask = jnp.ones((N_GAUSS,), jnp.bool_)
    return {"means3D": means3D, "means2D": means2D, "opacities": opacities,
            "colors_precomp": colors_precomp, "scales": scales,
            "rotations": rotations, "backward_mask": backward_mask}


def reference(means3D, means2D, opacities, colors_precomp, scales, rotations, backward_mask):
    color, radii = rasterize_core(means3D, opacities, colors_precomp, scales, rotations)
    return color, radii

if __name__ == "__main__":
    import jax
    _d = setup_inputs()
    print(jax.jit(kernel)(*tuple(_d.values())))

</pallas_src>

<mosaic_0001>
#map = affine_map<(d0, d1) -> (0)>
#map1 = affine_map<(d0, d1) -> (0, 0)>
module attributes {stable_mosaic.version = 14 : i64} {
  func.func @_cull_kernel(%arg0: i32, %arg1: i32, %arg2: memref<1024xf32, #tpu.memory_space<hbm>>, %arg3: memref<1024xf32, #tpu.memory_space<hbm>>, %arg4: memref<1024xf32, #tpu.memory_space<hbm>>, %arg5: memref<1024xf32, #tpu.memory_space<hbm>>, %arg6: memref<64x1024xi32, #tpu.memory_space<hbm>>, %arg7: memref<1024xf32, #tpu.memory_space<vmem>>, %arg8: memref<1024xf32, #tpu.memory_space<vmem>>, %arg9: memref<1024xf32, #tpu.memory_space<vmem>>, %arg10: memref<1024xf32, #tpu.memory_space<vmem>>, %arg11: memref<1024xi32, #tpu.memory_space<vmem>>) attributes {dimension_semantics = [#tpu.dimension_semantics<core_parallel>, #tpu.dimension_semantics<subcore_parallel>], iteration_bounds = array<i64: 2, 16>, scalar_prefetch = 0 : i64, scratch_operands = 5 : i64, tpu.core_type = #tpu.core_type<sc_vector_subcore>, window_params = [{transform_indices = #map}, {transform_indices = #map}, {transform_indices = #map}, {transform_indices = #map}, {transform_indices = #map1}]} {
    %mul3A = arith.constant 2 : i32
    %mul3A_0 = arith.muli %arg1, %mul3A : i32
    %add3A = arith.addi %mul3A_0, %arg0 : i32
    "tpu.region"() ({
      %run_scoped3A = tpu.sem_alloc : memref<!tpu.dma_semaphore, #tpu.memory_space<semaphore_mem>>
      tpu.enqueue_dma source(%arg2 : memref<1024xf32, #tpu.memory_space<hbm>>) target(%arg7 : memref<1024xf32, #tpu.memory_space<vmem>>) target_semaphore(%run_scoped3A : memref<!tpu.dma_semaphore, #tpu.memory_space<semaphore_mem>>)
      tpu.wait_dma2 semaphore(%run_scoped3A : memref<!tpu.dma_semaphore, #tpu.memory_space<semaphore_mem>>) src(%arg2 : memref<1024xf32, #tpu.memory_space<hbm>>) dst(%arg7 : memref<1024xf32, #tpu.memory_space<vmem>>)
      tpu.yield
    }) : () -> ()
    "tpu.region"() ({
      %run_scoped3A = tpu.sem_alloc : memref<!tpu.dma_semaphore, #tpu.memory_space<semaphore_mem>>
      tpu.enqueue_dma source(%arg3 : memref<1024xf32, #tpu.memory_space<hbm>>) target(%arg8 : memref<1024xf32, #tpu.memory_space<vmem>>) target_semaphore(%run_scoped3A : memref<!tpu.dma_semaphore, #tpu.memory_space<semaphore_mem>>)
      tpu.wait_dma2 semaphore(%run_scoped3A : memref<!tpu.dma_semaphore, #tpu.memory_space<semaphore_mem>>) src(%arg3 : memref<1024xf32, #tpu.memory_space<hbm>>) dst(%arg8 : memref<1024xf32, #tpu.memory_space<vmem>>)
      tpu.yield
    }) : () -> ()
    "tpu.region"() ({
      %run_scoped3A = tpu.sem_alloc : memref<!tpu.dma_semaphore, #tpu.memory_space<semaphore_mem>>
      tpu.enqueue_dma source(%arg4 : memref<1024xf32, #tpu.memory_space<hbm>>) target(%arg9 : memref<1024xf32, #tpu.memory_space<vmem>>) target_semaphore(%run_scoped3A : memref<!tpu.dma_semaphore, #tpu.memory_space<semaphore_mem>>)
      tpu.wait_dma2 semaphore(%run_scoped3A : memref<!tpu.dma_semaphore, #tpu.memory_space<semaphore_mem>>) src(%arg4 : memref<1024xf32, #tpu.memory_space<hbm>>) dst(%arg9 : memref<1024xf32, #tpu.memory_space<vmem>>)
      tpu.yield
    }) : () -> ()
    "tpu.region"() ({
      %run_scoped3A = tpu.sem_alloc : memref<!tpu.dma_semaphore, #tpu.memory_space<semaphore_mem>>
      tpu.enqueue_dma source(%arg5 : memref<1024xf32, #tpu.memory_space<hbm>>) target(%arg10 : memref<1024xf32, #tpu.memory_space<vmem>>) target_semaphore(%run_scoped3A : memref<!tpu.dma_semaphore, #tpu.memory_space<semaphore_mem>>)
      tpu.wait_dma2 semaphore(%run_scoped3A : memref<!tpu.dma_semaphore, #tpu.memory_space<semaphore_mem>>) src(%arg5 : memref<1024xf32, #tpu.memory_space<hbm>>) dst(%arg10 : memref<1024xf32, #tpu.memory_space<vmem>>)
      tpu.yield
    }) : () -> ()
    %broadcast_in_dim3A = arith.constant 1 : i32
    %broadcast_in_dim3A_1 = vector.broadcast %broadcast_in_dim3A : i32 to vector<16xi32>
    %broadcast_in_dim3A_2 = arith.constant 0 : i32
    %broadcast_in_dim3A_3 = vector.broadcast %broadcast_in_dim3A_2 : i32 to vector<16xi32>
    %mul3A_4 = arith.constant 2 : i32
    %mul3A_5 = arith.muli %add3A, %mul3A_4 : i32
    %add3A_6 = arith.constant 0 : i32
    %add3A_7 = arith.addi %mul3A_5, %add3A_6 : i32
    %jit3A = arith.constant 8 : i32
    %eq3A = arith.constant 0 : i32
    %eq3A_8 = arith.cmpi eq, %jit3A, %eq3A : i32
    %jit3A_9 = arith.constant 1 : i32
    %select_n3A = arith.select %eq3A_8, %jit3A_9, %jit3A : i32
    %rem3A = arith.remsi %add3A_7, %select_n3A : i32
    %ne3A = arith.constant 0 : i32
    %ne3A_10 = arith.cmpi ne, %rem3A, %ne3A : i32
    %lt3A = arith.constant 0 : i32
    %lt3A_11 = arith.cmpi slt, %rem3A, %lt3A : i32
    %lt3A_12 = arith.constant 0 : i32
    %lt3A_13 = arith.cmpi slt, %select_n3A, %lt3A_12 : i32
    %ne3A_14 = arith.xori %lt3A_11, %lt3A_13 : i1
    %and3A = arith.andi %ne3A_14, %ne3A_10 : i1
    %add3A_15 = arith.addi %rem3A, %select_n3A : i32
    %select_n3A_16 = arith.select %and3A, %add3A_15, %rem3A : i32
    %mul3A_17 = arith.constant 16 : i32
    %mul3A_18 = arith.muli %select_n3A_16, %mul3A_17 : i32
    %broadcast_in_dim3A_19 = vector.broadcast %mul3A_18 : i32 to vector<16xi32>
    %convert_element_type3A = arith.sitofp %broadcast_in_dim3A_19 : vector<16xi32> to vector<16xf32>
    %jit3A_20 = arith.constant 8 : i32
    %div3A = arith.divsi %add3A_7, %jit3A_20 : i32
    %sign3A = arith.constant 0 : i32
    %sign3A_21 = arith.cmpi sgt, %add3A_7, %sign3A : i32
    %sign3A_22 = arith.extui %sign3A_21 : i1 to i32
    %sign3A_23 = arith.constant 0 : i32
    %sign3A_24 = arith.cmpi slt, %add3A_7, %sign3A_23 : i32
    %sign3A_25 = arith.extui %sign3A_24 : i1 to i32
    %sign3A_26 = arith.subi %sign3A_22, %sign3A_25 : i32
    %sign3A_27 = arith.constant 0 : i32
    %sign3A_28 = arith.cmpi sgt, %jit3A_20, %sign3A_27 : i32
    %sign3A_29 = arith.extui %sign3A_28 : i1 to i32
    %sign3A_30 = arith.constant 0 : i32
    %sign3A_31 = arith.cmpi slt, %jit3A_20, %sign3A_30 : i32
    %sign3A_32 = arith.extui %sign3A_31 : i1 to i32
    %sign3A_33 = arith.subi %sign3A_29, %sign3A_32 : i32
    %ne3A_34 = arith.cmpi ne, %sign3A_26, %sign3A_33 : i32
    %rem3A_35 = arith.remsi %add3A_7, %jit3A_20 : i32
    %ne3A_36 = arith.constant 0 : i32
    %ne3A_37 = arith.cmpi ne, %rem3A_35, %ne3A_36 : i32
    %and3A_38 = arith.andi %ne3A_34, %ne3A_37 : i1
    %sub3A = arith.constant 1 : i32
    %sub3A_39 = arith.subi %div3A, %sub3A : i32
    %select_n3A_40 = arith.select %and3A_38, %sub3A_39, %div3A : i32
    %mul3A_41 = arith.constant 16 : i32
    %mul3A_42 = arith.muli %select_n3A_40, %mul3A_41 : i32
    %broadcast_in_dim3A_43 = vector.broadcast %mul3A_42 : i32 to vector<16xi32>
    %convert_element_type3A_44 = arith.sitofp %broadcast_in_dim3A_43 : vector<16xi32> to vector<16xf32>
    %add3A_45 = arith.constant 1.500000e+01 : f32
    %add3A_46 = vector.broadcast %add3A_45 : f32 to vector<16xf32>
    %add3A_47 = arith.addf %convert_element_type3A, %add3A_46 : vector<16xf32>
    %add3A_48 = arith.constant 1.500000e+01 : f32
    %add3A_49 = vector.broadcast %add3A_48 : f32 to vector<16xf32>
    %add3A_50 = arith.addf %convert_element_type3A_44, %add3A_49 : vector<16xf32>
    %scan3A = arith.constant 0 : i32
    %scan3A_51 = arith.constant 0 : i32
    %scan3A_52 = arith.constant 64 : i32
    %scan3A_53 = arith.addi %scan3A_51, %scan3A_52 : i32
    %scan3A_54 = arith.constant 1 : i32
    scf.for %scan3A_120 = %scan3A_51 to %scan3A_53 step %scan3A_54  : i32 {
      %mul3A_121 = arith.constant 16 : i32
      %mul3A_122 = arith.muli %scan3A_120, %mul3A_121 : i32
      %get3A = arith.index_cast %mul3A_122 : i32 to index
      %get3A_123 = tpu.vector_load %arg7[%get3A] {strides = array<i32>} : memref<1024xf32, #tpu.memory_space<vmem>>, vector<16xf32>,
      %get3A_124 = vector.shape_cast %get3A_123 : vector<16xf32> to vector<16xf32>
      %get3A_125 = arith.index_cast %mul3A_122 : i32 to index
      %get3A_126 = tpu.vector_load %arg8[%get3A_125] {strides = array<i32>} : memref<1024xf32, #tpu.memory_space<vmem>>, vector<16xf32>,
      %get3A_127 = vector.shape_cast %get3A_126 : vector<16xf32> to vector<16xf32>
      %get3A_128 = arith.index_cast %mul3A_122 : i32 to index
      %get3A_129 = tpu.vector_load %arg9[%get3A_128] {strides = array<i32>} : memref<1024xf32, #tpu.memory_space<vmem>>, vector<16xf32>,
      %get3A_130 = vector.shape_cast %get3A_129 : vector<16xf32> to vector<16xf32>
      %get3A_131 = arith.index_cast %mul3A_122 : i32 to index
      %get3A_132 = tpu.vector_load %arg10[%get3A_131] {strides = array<i32>} : memref<1024xf32, #tpu.memory_space<vmem>>, vector<16xf32>,
      %get3A_133 = vector.shape_cast %get3A_132 : vector<16xf32> to vector<16xf32>
      %sub3A_134 = arith.subf %get3A_124, %get3A_130 : vector<16xf32>
      %le3A = arith.cmpf ole, %sub3A_134, %add3A_47 : vector<16xf32>
      %add3A_135 = arith.addf %get3A_124, %get3A_130 : vector<16xf32>
      %ge3A = arith.cmpf oge, %add3A_135, %convert_element_type3A : vector<16xf32>
      %and3A_136 = arith.andi %le3A, %ge3A : vector<16xi1>
      %sub3A_137 = arith.subf %get3A_127, %get3A_133 : vector<16xf32>
      %le3A_138 = arith.cmpf ole, %sub3A_137, %add3A_50 : vector<16xf32>
      %and3A_139 = arith.andi %and3A_136, %le3A_138 : vector<16xi1>
      %add3A_140 = arith.addf %get3A_127, %get3A_133 : vector<16xf32>
      %ge3A_141 = arith.cmpf oge, %add3A_140, %convert_element_type3A_44 : vector<16xf32>
      %and3A_142 = arith.andi %and3A_139, %ge3A_141 : vector<16xi1>
      %select_n3A_143 = arith.select %and3A_142, %broadcast_in_dim3A_1, %broadcast_in_dim3A_3 : vector<16xi1>, vector<16xi32>
      %swap3A = arith.index_cast %mul3A_122 : i32 to index
      %swap3A_144 = tpu.vector_load %arg11[%swap3A] {strides = array<i32>} : memref<1024xi32, #tpu.memory_space<vmem>>, vector<16xi32>,
      %swap3A_145 = vector.shape_cast %swap3A_144 : vector<16xi32> to vector<16xi32>
      %swap3A_146 = vector.shape_cast %select_n3A_143 : vector<16xi32> to vector<16xi32>
      tpu.vector_store %arg11[%swap3A], %swap3A_146 {strides = array<i32>} : memref<1024xi32, #tpu.memory_space<vmem>>, vector<16xi32>,
    }
    %scan3A_55 = arith.constant 64 : i32
    "tpu.region"() ({
      %run_scoped3A = tpu.sem_alloc : memref<!tpu.dma_semaphore, #tpu.memory_space<semaphore_mem>>
      %dma_start3A = arith.constant 0 : i32
      %dma_start3A_120 = tpu.memref_slice %arg6[%add3A_7, %dma_start3A] : memref<64x1024xi32, #tpu.memory_space<hbm>> -> memref<1x1024xi32, #tpu.memory_space<hbm>>
      %dma_start3A_121 = tpu.memref_squeeze %dma_start3A_120 : memref<1x1024xi32, #tpu.memory_space<hbm>> -> memref<1024xi32, #tpu.memory_space<hbm>>
      %dma_start3A_122 = arith.constant 0 : i32
      %dma_start3A_123 = tpu.memref_slice %arg6[%add3A_7, %dma_start3A_122] : memref<64x1024xi32, #tpu.memory_space<hbm>> -> memref<1x1024xi32, #tpu.memory_space<hbm>>
      %dma_start3A_124 = tpu.memref_squeeze %dma_start3A_123 : memref<1x1024xi32, #tpu.memory_space<hbm>> -> memref<1024xi32, #tpu.memory_space<hbm>>
      tpu.enqueue_dma source(%arg11 : memref<1024xi32, #tpu.memory_space<vmem>>) target(%dma_start3A_124 : memref<1024xi32, #tpu.memory_space<hbm>>) target_semaphore(%run_scoped3A : memref<!tpu.dma_semaphore, #tpu.memory_space<semaphore_mem>>)
      %dma_wait3A = arith.constant 0 : i32
      %dma_wait3A_125 = tpu.memref_slice %arg6[%add3A_7, %dma_wait3A] : memref<64x1024xi32, #tpu.memory_space<hbm>> -> memref<1x1024xi32, #tpu.memory_space<hbm>>
      %dma_wait3A_126 = tpu.memref_squeeze %dma_wait3A_125 : memref<1x1024xi32, #tpu.memory_space<hbm>> -> memref<1024xi32, #tpu.memory_space<hbm>>
      %dma_wait3A_127 = arith.constant 0 : i32
      %dma_wait3A_128 = tpu.memref_slice %arg6[%add3A_7, %dma_wait3A_127] : memref<64x1024xi32, #tpu.memory_space<hbm>> -> memref<1x1024xi32, #tpu.memory_space<hbm>>
      %dma_wait3A_129 = tpu.memref_squeeze %dma_wait3A_128 : memref<1x1024xi32, #tpu.memory_space<hbm>> -> memref<1024xi32, #tpu.memory_space<hbm>>
      tpu.wait_dma2 semaphore(%run_scoped3A : memref<!tpu.dma_semaphore, #tpu.memory_space<semaphore_mem>>) src(%arg11 : memref<1024xi32, #tpu.memory_space<vmem>>) dst(%dma_wait3A_129 : memref<1024xi32, #tpu.memory_space<hbm>>)
      tpu.yield
    }) : () -> ()
    %mul3A_56 = arith.constant 2 : i32
    %mul3A_57 = arith.muli %add3A, %mul3A_56 : i32
    %add3A_58 = arith.constant 1 : i32
    %add3A_59 = arith.addi %mul3A_57, %add3A_58 : i32
    %jit3A_60 = arith.constant 8 : i32
    %eq3A_61 = arith.constant 0 : i32
    %eq3A_62 = arith.cmpi eq, %jit3A_60, %eq3A_61 : i32
    %jit3A_63 = arith.constant 1 : i32
    %select_n3A_64 = arith.select %eq3A_62, %jit3A_63, %jit3A_60 : i32
    %rem3A_65 = arith.remsi %add3A_59, %select_n3A_64 : i32
    %ne3A_66 = arith.constant 0 : i32
    %ne3A_67 = arith.cmpi ne, %rem3A_65, %ne3A_66 : i32
    %lt3A_68 = arith.constant 0 : i32
    %lt3A_69 = arith.cmpi slt, %rem3A_65, %lt3A_68 : i32
    %lt3A_70 = arith.constant 0 : i32
    %lt3A_71 = arith.cmpi slt, %select_n3A_64, %lt3A_70 : i32
    %ne3A_72 = arith.xori %lt3A_69, %lt3A_71 : i1
    %and3A_73 = arith.andi %ne3A_72, %ne3A_67 : i1
    %add3A_74 = arith.addi %rem3A_65, %select_n3A_64 : i32
    %select_n3A_75 = arith.select %and3A_73, %add3A_74, %rem3A_65 : i32
    %mul3A_76 = arith.constant 16 : i32
    %mul3A_77 = arith.muli %select_n3A_75, %mul3A_76 : i32
    %broadcast_in_dim3A_78 = vector.broadcast %mul3A_77 : i32 to vector<16xi32>
    %convert_element_type3A_79 = arith.sitofp %broadcast_in_dim3A_78 : vector<16xi32> to vector<16xf32>
    %jit3A_80 = arith.constant 8 : i32
    %div3A_81 = arith.divsi %add3A_59, %jit3A_80 : i32
    %sign3A_82 = arith.constant 0 : i32
    %sign3A_83 = arith.cmpi sgt, %add3A_59, %sign3A_82 : i32
    %sign3A_84 = arith.extui %sign3A_83 : i1 to i32
    %sign3A_85 = arith.constant 0 : i32
    %sign3A_86 = arith.cmpi slt, %add3A_59, %sign3A_85 : i32
    %sign3A_87 = arith.extui %sign3A_86 : i1 to i32
    %sign3A_88 = arith.subi %sign3A_84, %sign3A_87 : i32
    %sign3A_89 = arith.constant 0 : i32
    %sign3A_90 = arith.cmpi sgt, %jit3A_80, %sign3A_89 : i32
    %sign3A_91 = arith.extui %sign3A_90 : i1 to i32
    %sign3A_92 = arith.constant 0 : i32
    %sign3A_93 = arith.cmpi slt, %jit3A_80, %sign3A_92 : i32
    %sign3A_94 = arith.extui %sign3A_93 : i1 to i32
    %sign3A_95 = arith.subi %sign3A_91, %sign3A_94 : i32
    %ne3A_96 = arith.cmpi ne, %sign3A_88, %sign3A_95 : i32
    %rem3A_97 = arith.remsi %add3A_59, %jit3A_80 : i32
    %ne3A_98 = arith.constant 0 : i32
    %ne3A_99 = arith.cmpi ne, %rem3A_97, %ne3A_98 : i32
    %and3A_100 = arith.andi %ne3A_96, %ne3A_99 : i1
    %sub3A_101 = arith.constant 1 : i32
    %sub3A_102 = arith.subi %div3A_81, %sub3A_101 : i32
    %select_n3A_103 = arith.select %and3A_100, %sub3A_102, %div3A_81 : i32
    %mul3A_104 = arith.constant 16 : i32
    %mul3A_105 = arith.muli %select_n3A_103, %mul3A_104 : i32
    %broadcast_in_dim3A_106 = vector.broadcast %mul3A_105 : i32 to vector<16xi32>
    %convert_element_type3A_107 = arith.sitofp %broadcast_in_dim3A_106 : vector<16xi32> to vector<16xf32>
    %add3A_108 = arith.constant 1.500000e+01 : f32
    %add3A_109 = vector.broadcast %add3A_108 : f32 to vector<16xf32>
    %add3A_110 = arith.addf %convert_element_type3A_79, %add3A_109 : vector<16xf32>
    %add3A_111 = arith.constant 1.500000e+01 : f32
    %add3A_112 = vector.broadcast %add3A_111 : f32 to vector<16xf32>
    %add3A_113 = arith.addf %convert_element_type3A_107, %add3A_112 : vector<16xf32>
    %scan3A_114 = arith.constant 0 : i32
    %scan3A_115 = arith.constant 0 : i32
    %scan3A_116 = arith.constant 64 : i32
    %scan3A_117 = arith.addi %scan3A_115, %scan3A_116 : i32
    %scan3A_118 = arith.constant 1 : i32
    scf.for %scan3A_120 = %scan3A_115 to %scan3A_117 step %scan3A_118  : i32 {
      %mul3A_121 = arith.constant 16 : i32
      %mul3A_122 = arith.muli %scan3A_120, %mul3A_121 : i32
      %get3A = arith.index_cast %mul3A_122 : i32 to index
      %get3A_123 = tpu.vector_load %arg7[%get3A] {strides = array<i32>} : memref<1024xf32, #tpu.memory_space<vmem>>, vector<16xf32>,
      %get3A_124 = vector.shape_cast %get3A_123 : vector<16xf32> to vector<16xf32>
      %get3A_125 = arith.index_cast %mul3A_122 : i32 to index
      %get3A_126 = tpu.vector_load %arg8[%get3A_125] {strides = array<i32>} : memref<1024xf32, #tpu.memory_space<vmem>>, vector<16xf32>,
      %get3A_127 = vector.shape_cast %get3A_126 : vector<16xf32> to vector<16xf32>
      %get3A_128 = arith.index_cast %mul3A_122 : i32 to index
      %get3A_129 = tpu.vector_load %arg9[%get3A_128] {strides = array<i32>} : memref<1024xf32, #tpu.memory_space<vmem>>, vector<16xf32>,
      %get3A_130 = vector.shape_cast %get3A_129 : vector<16xf32> to vector<16xf32>
      %get3A_131 = arith.index_cast %mul3A_122 : i32 to index
      %get3A_132 = tpu.vector_load %arg10[%get3A_131] {strides = array<i32>} : memref<1024xf32, #tpu.memory_space<vmem>>, vector<16xf32>,
      %get3A_133 = vector.shape_cast %get3A_132 : vector<16xf32> to vector<16xf32>
      %sub3A_134 = arith.subf %get3A_124, %get3A_130 : vector<16xf32>
      %le3A = arith.cmpf ole, %sub3A_134, %add3A_110 : vector<16xf32>
      %add3A_135 = arith.addf %get3A_124, %get3A_130 : vector<16xf32>
      %ge3A = arith.cmpf oge, %add3A_135, %convert_element_type3A_79 : vector<16xf32>
      %and3A_136 = arith.andi %le3A, %ge3A : vector<16xi1>
      %sub3A_137 = arith.subf %get3A_127, %get3A_133 : vector<16xf32>
      %le3A_138 = arith.cmpf ole, %sub3A_137, %add3A_113 : vector<16xf32>
      %and3A_139 = arith.andi %and3A_136, %le3A_138 : vector<16xi1>
      %add3A_140 = arith.addf %get3A_127, %get3A_133 : vector<16xf32>
      %ge3A_141 = arith.cmpf oge, %add3A_140, %convert_element_type3A_107 : vector<16xf32>
      %and3A_142 = arith.andi %and3A_139, %ge3A_141 : vector<16xi1>
      %select_n3A_143 = arith.select %and3A_142, %broadcast_in_dim3A_1, %broadcast_in_dim3A_3 : vector<16xi1>, vector<16xi32>
      %swap3A = arith.index_cast %mul3A_122 : i32 to index
      %swap3A_144 = tpu.vector_load %arg11[%swap3A] {strides = array<i32>} : memref<1024xi32, #tpu.memory_space<vmem>>, vector<16xi32>,
      %swap3A_145 = vector.shape_cast %swap3A_144 : vector<16xi32> to vector<16xi32>
      %swap3A_146 = vector.shape_cast %select_n3A_143 : vector<16xi32> to vector<16xi32>
      tpu.vector_store %arg11[%swap3A], %swap3A_146 {strides = array<i32>} : memref<1024xi32, #tpu.memory_space<vmem>>, vector<16xi32>,
    }
    %scan3A_119 = arith.constant 64 : i32
    "tpu.region"() ({
      %run_scoped3A = tpu.sem_alloc : memref<!tpu.dma_semaphore, #tpu.memory_space<semaphore_mem>>
      %dma_start3A = arith.constant 0 : i32
      %dma_start3A_120 = tpu.memref_slice %arg6[%add3A_59, %dma_start3A] : memref<64x1024xi32, #tpu.memory_space<hbm>> -> memref<1x1024xi32, #tpu.memory_space<hbm>>
      %dma_start3A_121 = tpu.memref_squeeze %dma_start3A_120 : memref<1x1024xi32, #tpu.memory_space<hbm>> -> memref<1024xi32, #tpu.memory_space<hbm>>
      %dma_start3A_122 = arith.constant 0 : i32
      %dma_start3A_123 = tpu.memref_slice %arg6[%add3A_59, %dma_start3A_122] : memref<64x1024xi32, #tpu.memory_space<hbm>> -> memref<1x1024xi32, #tpu.memory_space<hbm>>
      %dma_start3A_124 = tpu.memref_squeeze %dma_start3A_123 : memref<1x1024xi32, #tpu.memory_space<hbm>> -> memref<1024xi32, #tpu.memory_space<hbm>>
      tpu.enqueue_dma source(%arg11 : memref<1024xi32, #tpu.memory_space<vmem>>) target(%dma_start3A_124 : memref<1024xi32, #tpu.memory_space<hbm>>) target_semaphore(%run_scoped3A : memref<!tpu.dma_semaphore, #tpu.memory_space<semaphore_mem>>)
      %dma_wait3A = arith.constant 0 : i32
      %dma_wait3A_125 = tpu.memref_slice %arg6[%add3A_59, %dma_wait3A] : memref<64x1024xi32, #tpu.memory_space<hbm>> -> memref<1x1024xi32, #tpu.memory_space<hbm>>
      %dma_wait3A_126 = tpu.memref_squeeze %dma_wait3A_125 : memref<1x1024xi32, #tpu.memory_space<hbm>> -> memref<1024xi32, #tpu.memory_space<hbm>>
      %dma_wait3A_127 = arith.constant 0 : i32
      %dma_wait3A_128 = tpu.memref_slice %arg6[%add3A_59, %dma_wait3A_127] : memref<64x1024xi32, #tpu.memory_space<hbm>> -> memref<1x1024xi32, #tpu.memory_space<hbm>>
      %dma_wait3A_129 = tpu.memref_squeeze %dma_wait3A_128 : memref<1x1024xi32, #tpu.memory_space<hbm>> -> memref<1024xi32, #tpu.memory_space<hbm>>
      tpu.wait_dma2 semaphore(%run_scoped3A : memref<!tpu.dma_semaphore, #tpu.memory_space<semaphore_mem>>) src(%arg11 : memref<1024xi32, #tpu.memory_space<vmem>>) dst(%dma_wait3A_129 : memref<1024xi32, #tpu.memory_space<hbm>>)
      tpu.yield
    }) : () -> ()
    return
  }
}

module attributes {stable_mosaic.version = 14 : i64} {
  func.func @_preprocess_kernel(%arg0: memref<1024x3xf32, #tpu.memory_space<vmem>>, %arg1: memref<1024x1xf32, #tpu.memory_space<vmem>>, %arg2: memref<1024x3xf32, #tpu.memory_space<vmem>>, %arg3: memref<1024x3xf32, #tpu.memory_space<vmem>>, %arg4: memref<1024x4xf32, #tpu.memory_space<vmem>>, %arg5: memref<1024x16xf32, #tpu.memory_space<vmem>>, %arg6: memref<1024x1xi32, #tpu.memory_space<vmem>>) attributes {dimension_semantics = [], scalar_prefetch = 0 : i64, scratch_operands = 0 : i64, tpu.core_type = #tpu.core_type<tc>} {
    %get3A = arith.constant 0 : index
    %get3A_0 = arith.constant 0 : index
    %get3A_1 = vector.load %arg0[%get3A, %get3A_0] : memref<1024x3xf32, #tpu.memory_space<vmem>>, vector<1024x1xf32>
    %convert_element_type3A = arith.truncf %get3A_1 : vector<1024x1xf32> to vector<1024x1xbf16>
    %convert_element_type3A_2 = arith.extf %convert_element_type3A : vector<1024x1xbf16> to vector<1024x1xf32>
    %get3A_3 = arith.constant 0 : index
    %get3A_4 = arith.constant 1 : index
    %get3A_5 = vector.load %arg0[%get3A_3, %get3A_4] : memref<1024x3xf32, #tpu.memory_space<vmem>>, vector<1024x1xf32>
    %convert_element_type3A_6 = arith.truncf %get3A_5 : vector<1024x1xf32> to vector<1024x1xbf16>
    %convert_element_type3A_7 = arith.extf %convert_element_type3A_6 : vector<1024x1xbf16> to vector<1024x1xf32>
    %get3A_8 = arith.constant 0 : index
    %get3A_9 = arith.constant 2 : index
    %get3A_10 = vector.load %arg0[%get3A_8, %get3A_9] : memref<1024x3xf32, #tpu.memory_space<vmem>>, vector<1024x1xf32>
    %convert_element_type3A_11 = arith.truncf %get3A_10 : vector<1024x1xf32> to vector<1024x1xbf16>
    %convert_element_type3A_12 = arith.extf %convert_element_type3A_11 : vector<1024x1xbf16> to vector<1024x1xf32>
    %add3A = arith.constant 5.000000e+00 : f32
    %add3A_13 = vector.broadcast %add3A : f32 to vector<1024x1xf32>
    %add3A_14 = arith.addf %convert_element_type3A_12, %add3A_13 : vector<1024x1xf32>
    %gt3A = arith.constant 2.000000e-01 : f32
    %gt3A_15 = vector.broadcast %gt3A : f32 to vector<1024x1xf32>
    %gt3A_16 = arith.cmpf ogt, %add3A_14, %gt3A_15 : vector<1024x1xf32>
    %jit3A = arith.constant 1.000000e+00 : f32
    %broadcast_in_dim3A = vector.broadcast %jit3A : f32 to vector<1024x1xf32>
    %select_n3A = arith.select %gt3A_16, %add3A_14, %broadcast_in_dim3A : vector<1024x1xi1>, vector<1024x1xf32>
    %div3A = arith.divf %convert_element_type3A_2, %select_n3A : vector<1024x1xf32>
    %jit3A_17 = arith.constant -6.500000e-01 : f32
    %jit3A_18 = arith.constant 6.500000e-01 : f32
    %max3A = vector.broadcast %jit3A_17 : f32 to vector<1024x1xf32>
    %max3A_19 = arith.maximumf %max3A, %div3A : vector<1024x1xf32>
    %min3A = vector.broadcast %jit3A_18 : f32 to vector<1024x1xf32>
    %min3A_20 = arith.minimumf %min3A, %max3A_19 : vector<1024x1xf32>
    %div3A_21 = arith.divf %convert_element_type3A_7, %select_n3A : vector<1024x1xf32>
    %jit3A_22 = arith.constant -6.500000e-01 : f32
    %jit3A_23 = arith.constant 6.500000e-01 : f32
    %max3A_24 = vector.broadcast %jit3A_22 : f32 to vector<1024x1xf32>
    %max3A_25 = arith.maximumf %max3A_24, %div3A_21 : vector<1024x1xf32>
    %min3A_26 = vector.broadcast %jit3A_23 : f32 to vector<1024x1xf32>
    %min3A_27 = arith.minimumf %min3A_26, %max3A_25 : vector<1024x1xf32>
    %mul3A = arith.mulf %min3A_20, %select_n3A : vector<1024x1xf32>
    %mul3A_28 = arith.mulf %min3A_27, %select_n3A : vector<1024x1xf32>
    %get3A_29 = arith.constant 0 : index
    %get3A_30 = arith.constant 0 : index
    %get3A_31 = vector.load %arg4[%get3A_29, %get3A_30] : memref<1024x4xf32, #tpu.memory_space<vmem>>, vector<1024x1xf32>
    %get3A_32 = arith.constant 0 : index
    %get3A_33 = arith.constant 1 : index
    %get3A_34 = vector.load %arg4[%get3A_32, %get3A_33] : memref<1024x4xf32, #tpu.memory_space<vmem>>, vector<1024x1xf32>
    %get3A_35 = arith.constant 0 : index
    %get3A_36 = arith.constant 2 : index
    %get3A_37 = vector.load %arg4[%get3A_35, %get3A_36] : memref<1024x4xf32, #tpu.memory_space<vmem>>, vector<1024x1xf32>
    %get3A_38 = arith.constant 0 : index
    %get3A_39 = arith.constant 3 : index
    %get3A_40 = vector.load %arg4[%get3A_38, %get3A_39] : memref<1024x4xf32, #tpu.memory_space<vmem>>, vector<1024x1xf32>
    %mul3A_41 = arith.mulf %get3A_31, %get3A_31 : vector<1024x1xf32>
    %mul3A_42 = arith.mulf %get3A_34, %get3A_34 : vector<1024x1xf32>
    %add3A_43 = arith.addf %mul3A_41, %mul3A_42 : vector<1024x1xf32>
    %mul3A_44 = arith.mulf %get3A_37, %get3A_37 : vector<1024x1xf32>
    %add3A_45 = arith.addf %add3A_43, %mul3A_44 : vector<1024x1xf32>
    %mul3A_46 = arith.mulf %get3A_40, %get3A_40 : vector<1024x1xf32>
    %add3A_47 = arith.addf %add3A_45, %mul3A_46 : vector<1024x1xf32>
    %sqrt3A = math.sqrt %add3A_47 : vector<1024x1xf32>
    %div3A_48 = arith.divf %get3A_31, %sqrt3A : vector<1024x1xf32>
    %div3A_49 = arith.divf %get3A_34, %sqrt3A : vector<1024x1xf32>
    %div3A_50 = arith.divf %get3A_37, %sqrt3A : vector<1024x1xf32>
    %div3A_51 = arith.divf %get3A_40, %sqrt3A : vector<1024x1xf32>
    %mul3A_52 = arith.mulf %div3A_50, %div3A_50 : vector<1024x1xf32>
    %mul3A_53 = arith.mulf %div3A_51, %div3A_51 : vector<1024x1xf32>
    %add3A_54 = arith.addf %mul3A_52, %mul3A_53 : vector<1024x1xf32>
    %mul3A_55 = arith.constant 2.000000e+00 : f32
    %mul3A_56 = vector.broadcast %mul3A_55 : f32 to vector<1024x1xf32>
    %mul3A_57 = arith.mulf %mul3A_56, %add3A_54 : vector<1024x1xf32>
    %sub3A = arith.constant 1.000000e+00 : f32
    %sub3A_58 = vector.broadcast %sub3A : f32 to vector<1024x1xf32>
    %sub3A_59 = arith.subf %sub3A_58, %mul3A_57 : vector<1024x1xf32>
    %mul3A_60 = arith.mulf %div3A_49, %div3A_50 : vector<1024x1xf32>
    %mul3A_61 = arith.mulf %div3A_48, %div3A_51 : vector<1024x1xf32>
    %sub3A_62 = arith.subf %mul3A_60, %mul3A_61 : vector<1024x1xf32>
    %mul3A_63 = arith.constant 2.000000e+00 : f32
    %mul3A_64 = vector.broadcast %mul3A_63 : f32 to vector<1024x1xf32>
    %mul3A_65 = arith.mulf %mul3A_64, %sub3A_62 : vector<1024x1xf32>
    %mul3A_66 = arith.mulf %div3A_49, %div3A_51 : vector<1024x1xf32>
    %mul3A_67 = arith.mulf %div3A_48, %div3A_50 : vector<1024x1xf32>
    %add3A_68 = arith.addf %mul3A_66, %mul3A_67 : vector<1024x1xf32>
    %mul3A_69 = arith.constant 2.000000e+00 : f32
    %mul3A_70 = vector.broadcast %mul3A_69 : f32 to vector<1024x1xf32>
    %mul3A_71 = arith.mulf %mul3A_70, %add3A_68 : vector<1024x1xf32>
    %mul3A_72 = arith.mulf %div3A_49, %div3A_50 : vector<1024x1xf32>
    %mul3A_73 = arith.mulf %div3A_48, %div3A_51 : vector<1024x1xf32>
    %add3A_74 = arith.addf %mul3A_72, %mul3A_73 : vector<1024x1xf32>
    %mul3A_75 = arith.constant 2.000000e+00 : f32
    %mul3A_76 = vector.broadcast %mul3A_75 : f32 to vector<1024x1xf32>
    %mul3A_77 = arith.mulf %mul3A_76, %add3A_74 : vector<1024x1xf32>
    %mul3A_78 = arith.mulf %div3A_49, %div3A_49 : vector<1024x1xf32>
    %mul3A_79 = arith.mulf %div3A_51, %div3A_51 : vector<1024x1xf32>
    %add3A_80 = arith.addf %mul3A_78, %mul3A_79 : vector<1024x1xf32>
    %mul3A_81 = arith.constant 2.000000e+00 : f32
    %mul3A_82 = vector.broadcast %mul3A_81 : f32 to vector<1024x1xf32>
    %mul3A_83 = arith.mulf %mul3A_82, %add3A_80 : vector<1024x1xf32>
    %sub3A_84 = arith.constant 1.000000e+00 : f32
    %sub3A_85 = vector.broadcast %sub3A_84 : f32 to vector<1024x1xf32>
    %sub3A_86 = arith.subf %sub3A_85, %mul3A_83 : vector<1024x1xf32>
    %mul3A_87 = arith.mulf %div3A_50, %div3A_51 : vector<1024x1xf32>
    %mul3A_88 = arith.mulf %div3A_48, %div3A_49 : vector<1024x1xf32>
    %sub3A_89 = arith.subf %mul3A_87, %mul3A_88 : vector<1024x1xf32>
    %mul3A_90 = arith.constant 2.000000e+00 : f32
    %mul3A_91 = vector.broadcast %mul3A_90 : f32 to vector<1024x1xf32>
    %mul3A_92 = arith.mulf %mul3A_91, %sub3A_89 : vector<1024x1xf32>
    %mul3A_93 = arith.mulf %div3A_49, %div3A_51 : vector<1024x1xf32>
    %mul3A_94 = arith.mulf %div3A_48, %div3A_50 : vector<1024x1xf32>
    %sub3A_95 = arith.subf %mul3A_93, %mul3A_94 : vector<1024x1xf32>
    %mul3A_96 = arith.constant 2.000000e+00 : f32
    %mul3A_97 = vector.broadcast %mul3A_96 : f32 to vector<1024x1xf32>
    %mul3A_98 = arith.mulf %mul3A_97, %sub3A_95 : vector<1024x1xf32>
    %mul3A_99 = arith.mulf %div3A_50, %div3A_51 : vector<1024x1xf32>
    %mul3A_100 = arith.mulf %div3A_48, %div3A_49 : vector<1024x1xf32>
    %add3A_101 = arith.addf %mul3A_99, %mul3A_100 : vector<1024x1xf32>
    %mul3A_102 = arith.constant 2.000000e+00 : f32
    %mul3A_103 = vector.broadcast %mul3A_102 : f32 to vector<1024x1xf32>
    %mul3A_104 = arith.mulf %mul3A_103, %add3A_101 : vector<1024x1xf32>
    %mul3A_105 = arith.mulf %div3A_49, %div3A_49 : vector<1024x1xf32>
    %mul3A_106 = arith.mulf %div3A_50, %div3A_50 : vector<1024x1xf32>
    %add3A_107 = arith.addf %mul3A_105, %mul3A_106 : vector<1024x1xf32>
    %mul3A_108 = arith.constant 2.000000e+00 : f32
    %mul3A_109 = vector.broadcast %mul3A_108 : f32 to vector<1024x1xf32>
    %mul3A_110 = arith.mulf %mul3A_109, %add3A_107 : vector<1024x1xf32>
    %sub3A_111 = arith.constant 1.000000e+00 : f32
    %sub3A_112 = vector.broadcast %sub3A_111 : f32 to vector<1024x1xf32>
    %sub3A_113 = arith.subf %sub3A_112, %mul3A_110 : vector<1024x1xf32>
    %get3A_114 = arith.constant 0 : index
    %get3A_115 = arith.constant 0 : index
    %get3A_116 = vector.load %arg3[%get3A_114, %get3A_115] : memref<1024x3xf32, #tpu.memory_space<vmem>>, vector<1024x1xf32>
    %get3A_117 = arith.constant 0 : index
    %get3A_118 = arith.constant 1 : index
    %get3A_119 = vector.load %arg3[%get3A_117, %get3A_118] : memref<1024x3xf32, #tpu.memory_space<vmem>>, vector<1024x1xf32>
    %get3A_120 = arith.constant 0 : index
    %get3A_121 = arith.constant 2 : index
    %get3A_122 = vector.load %arg3[%get3A_120, %get3A_121] : memref<1024x3xf32, #tpu.memory_space<vmem>>, vector<1024x1xf32>
    %mul3A_123 = arith.mulf %get3A_116, %get3A_116 : vector<1024x1xf32>
    %mul3A_124 = arith.mulf %get3A_119, %get3A_119 : vector<1024x1xf32>
    %mul3A_125 = arith.mulf %get3A_122, %get3A_122 : vector<1024x1xf32>
    %convert_element_type3A_126 = arith.truncf %sub3A_59 : vector<1024x1xf32> to vector<1024x1xbf16>
    %convert_element_type3A_127 = arith.extf %convert_element_type3A_126 : vector<1024x1xbf16> to vector<1024x1xf32>
    %convert_element_type3A_128 = arith.truncf %mul3A_65 : vector<1024x1xf32> to vector<1024x1xbf16>
    %convert_element_type3A_129 = arith.extf %convert_element_type3A_128 : vector<1024x1xbf16> to vector<1024x1xf32>
    %convert_element_type3A_130 = arith.truncf %mul3A_71 : vector<1024x1xf32> to vector<1024x1xbf16>
    %convert_element_type3A_131 = arith.extf %convert_element_type3A_130 : vector<1024x1xbf16> to vector<1024x1xf32>
    %convert_element_type3A_132 = arith.truncf %mul3A_77 : vector<1024x1xf32> to vector<1024x1xbf16>
    %convert_element_type3A_133 = arith.extf %convert_element_type3A_132 : vector<1024x1xbf16> to vector<1024x1xf32>
    %convert_element_type3A_134 = arith.truncf %sub3A_86 : vector<1024x1xf32> to vector<1024x1xbf16>
    %convert_element_type3A_135 = arith.extf %convert_element_type3A_134 : vector<1024x1xbf16> to vector<1024x1xf32>
    %convert_element_type3A_136 = arith.truncf %mul3A_92 : vector<1024x1xf32> to vector<1024x1xbf16>
    %convert_element_type3A_137 = arith.extf %convert_element_type3A_136 : vector<1024x1xbf16> to vector<1024x1xf32>
    %convert_element_type3A_138 = arith.truncf %mul3A_98 : vector<1024x1xf32> to vector<1024x1xbf16>
    %convert_element_type3A_139 = arith.extf %convert_element_type3A_138 : vector<1024x1xbf16> to vector<1024x1xf32>
    %convert_element_type3A_140 = arith.truncf %mul3A_104 : vector<1024x1xf32> to vector<1024x1xbf16>
    %convert_element_type3A_141 = arith.extf %convert_element_type3A_140 : vector<1024x1xbf16> to vector<1024x1xf32>
    %convert_element_type3A_142 = arith.truncf %sub3A_113 : vector<1024x1xf32> to vector<1024x1xbf16>
    %convert_element_type3A_143 = arith.extf %convert_element_type3A_142 : vector<1024x1xbf16> to vector<1024x1xf32>
    %mul3A_144 = arith.mulf %sub3A_59, %mul3A_123 : vector<1024x1xf32>
    %convert_element_type3A_145 = arith.truncf %mul3A_144 : vector<1024x1xf32> to vector<1024x1xbf16>
    %convert_element_type3A_146 = arith.extf %convert_element_type3A_145 : vector<1024x1xbf16> to vector<1024x1xf32>
    %mul3A_147 = arith.mulf %mul3A_65, %mul3A_124 : vector<1024x1xf32>
    %convert_element_type3A_148 = arith.truncf %mul3A_147 : vector<1024x1xf32> to vector<1024x1xbf16>
    %convert_element_type3A_149 = arith.extf %convert_element_type3A_148 : vector<1024x1xbf16> to vector<1024x1xf32>
    %mul3A_150 = arith.mulf %mul3A_71, %mul3A_125 : vector<1024x1xf32>
    %convert_element_type3A_151 = arith.truncf %mul3A_150 : vector<1024x1xf32> to vector<1024x1xbf16>
    %convert_element_type3A_152 = arith.extf %convert_element_type3A_151 : vector<1024x1xbf16> to vector<1024x1xf32>
    %mul3A_153 = arith.mulf %mul3A_77, %mul3A_123 : vector<1024x1xf32>
    %convert_element_type3A_154 = arith.truncf %mul3A_153 : vector<1024x1xf32> to vector<1024x1xbf16>
    %convert_element_type3A_155 = arith.extf %convert_element_type3A_154 : vector<1024x1xbf16> to vector<1024x1xf32>
    %mul3A_156 = arith.mulf %sub3A_86, %mul3A_124 : vector<1024x1xf32>
    %convert_element_type3A_157 = arith.truncf %mul3A_156 : vector<1024x1xf32> to vector<1024x1xbf16>
    %convert_element_type3A_158 = arith.extf %convert_element_type3A_157 : vector<1024x1xbf16> to vector<1024x1xf32>
    %mul3A_159 = arith.mulf %mul3A_92, %mul3A_125 : vector<1024x1xf32>
    %convert_element_type3A_160 = arith.truncf %mul3A_159 : vector<1024x1xf32> to vector<1024x1xbf16>
    %convert_element_type3A_161 = arith.extf %convert_element_type3A_160 : vector<1024x1xbf16> to vector<1024x1xf32>
    %mul3A_162 = arith.mulf %mul3A_98, %mul3A_123 : vector<1024x1xf32>
    %convert_element_type3A_163 = arith.truncf %mul3A_162 : vector<1024x1xf32> to vector<1024x1xbf16>
    %convert_element_type3A_164 = arith.extf %convert_element_type3A_163 : vector<1024x1xbf16> to vector<1024x1xf32>
    %mul3A_165 = arith.mulf %mul3A_104, %mul3A_124 : vector<1024x1xf32>
    %convert_element_type3A_166 = arith.truncf %mul3A_165 : vector<1024x1xf32> to vector<1024x1xbf16>
    %convert_element_type3A_167 = arith.extf %convert_element_type3A_166 : vector<1024x1xbf16> to vector<1024x1xf32>
    %mul3A_168 = arith.mulf %sub3A_113, %mul3A_125 : vector<1024x1xf32>
    %convert_element_type3A_169 = arith.truncf %mul3A_168 : vector<1024x1xf32> to vector<1024x1xbf16>
    %convert_element_type3A_170 = arith.extf %convert_element_type3A_169 : vector<1024x1xbf16> to vector<1024x1xf32>
    %mul3A_171 = arith.mulf %convert_element_type3A_127, %convert_element_type3A_146 : vector<1024x1xf32>
    %mul3A_172 = arith.mulf %convert_element_type3A_129, %convert_element_type3A_149 : vector<1024x1xf32>
    %add3A_173 = arith.addf %mul3A_171, %mul3A_172 : vector<1024x1xf32>
    %mul3A_174 = arith.mulf %convert_element_type3A_131, %convert_element_type3A_152 : vector<1024x1xf32>
    %add3A_175 = arith.addf %add3A_173, %mul3A_174 : vector<1024x1xf32>
    %mul3A_176 = arith.mulf %convert_element_type3A_127, %convert_element_type3A_155 : vector<1024x1xf32>
    %mul3A_177 = arith.mulf %convert_element_type3A_129, %convert_element_type3A_158 : vector<1024x1xf32>
    %add3A_178 = arith.addf %mul3A_176, %mul3A_177 : vector<1024x1xf32>
    %mul3A_179 = arith.mulf %convert_element_type3A_131, %convert_element_type3A_161 : vector<1024x1xf32>
    %add3A_180 = arith.addf %add3A_178, %mul3A_179 : vector<1024x1xf32>
    %mul3A_181 = arith.mulf %convert_element_type3A_127, %convert_element_type3A_164 : vector<1024x1xf32>
    %mul3A_182 = arith.mulf %convert_element_type3A_129, %convert_element_type3A_167 : vector<1024x1xf32>
    %add3A_183 = arith.addf %mul3A_181, %mul3A_182 : vector<1024x1xf32>
    %mul3A_184 = arith.mulf %convert_element_type3A_131, %convert_element_type3A_170 : vector<1024x1xf32>
    %add3A_185 = arith.addf %add3A_183, %mul3A_184 : vector<1024x1xf32>
    %mul3A_186 = arith.mulf %convert_element_type3A_133, %convert_element_type3A_155 : vector<1024x1xf32>
    %mul3A_187 = arith.mulf %convert_element_type3A_135, %convert_element_type3A_158 : vector<1024x1xf32>
    %add3A_188 = arith.addf %mul3A_186, %mul3A_187 : vector<1024x1xf32>
    %mul3A_189 = arith.mulf %convert_element_type3A_137, %convert_element_type3A_161 : vector<1024x1xf32>
    %add3A_190 = arith.addf %add3A_188, %mul3A_189 : vector<1024x1xf32>
    %mul3A_191 = arith.mulf %convert_element_type3A_133, %convert_element_type3A_164 : vector<1024x1xf32>
    %mul3A_192 = arith.mulf %convert_element_type3A_135, %convert_element_type3A_167 : vector<1024x1xf32>
    %add3A_193 = arith.addf %mul3A_191, %mul3A_192 : vector<1024x1xf32>
    %mul3A_194 = arith.mulf %convert_element_type3A_137, %convert_element_type3A_170 : vector<1024x1xf32>
    %add3A_195 = arith.addf %add3A_193, %mul3A_194 : vector<1024x1xf32>
    %mul3A_196 = arith.mulf %convert_element_type3A_139, %convert_element_type3A_146 : vector<1024x1xf32>
    %mul3A_197 = arith.mulf %convert_element_type3A_141, %convert_element_type3A_149 : vector<1024x1xf32>
    %add3A_198 = arith.addf %mul3A_196, %mul3A_197 : vector<1024x1xf32>
    %mul3A_199 = arith.mulf %convert_element_type3A_143, %convert_element_type3A_152 : vector<1024x1xf32>
    %add3A_200 = arith.addf %add3A_198, %mul3A_199 : vector<1024x1xf32>
    %mul3A_201 = arith.mulf %convert_element_type3A_139, %convert_element_type3A_155 : vector<1024x1xf32>
    %mul3A_202 = arith.mulf %convert_element_type3A_141, %convert_element_type3A_158 : vector<1024x1xf32>
    %add3A_203 = arith.addf %mul3A_201, %mul3A_202 : vector<1024x1xf32>
    %mul3A_204 = arith.mulf %convert_element_type3A_143, %convert_element_type3A_161 : vector<1024x1xf32>
    %add3A_205 = arith.addf %add3A_203, %mul3A_204 : vector<1024x1xf32>
    %mul3A_206 = arith.mulf %convert_element_type3A_139, %convert_element_type3A_164 : vector<1024x1xf32>
    %mul3A_207 = arith.mulf %convert_element_type3A_141, %convert_element_type3A_167 : vector<1024x1xf32>
    %add3A_208 = arith.addf %mul3A_206, %mul3A_207 : vector<1024x1xf32>
    %mul3A_209 = arith.mulf %convert_element_type3A_143, %convert_element_type3A_170 : vector<1024x1xf32>
    %add3A_210 = arith.addf %add3A_208, %mul3A_209 : vector<1024x1xf32>
    %div3A_211 = arith.constant 1.280000e+02 : f32
    %div3A_212 = vector.broadcast %div3A_211 : f32 to vector<1024x1xf32>
    %div3A_213 = arith.divf %div3A_212, %select_n3A : vector<1024x1xf32>
    %convert_element_type3A_214 = arith.truncf %div3A_213 : vector<1024x1xf32> to vector<1024x1xbf16>
    %convert_element_type3A_215 = arith.extf %convert_element_type3A_214 : vector<1024x1xbf16> to vector<1024x1xf32>
    %mul3A_216 = arith.constant -1.280000e+02 : f32
    %mul3A_217 = vector.broadcast %mul3A_216 : f32 to vector<1024x1xf32>
    %mul3A_218 = arith.mulf %mul3A_217, %mul3A : vector<1024x1xf32>
    %mul3A_219 = arith.mulf %select_n3A, %select_n3A : vector<1024x1xf32>
    %div3A_220 = arith.divf %mul3A_218, %mul3A_219 : vector<1024x1xf32>
    %convert_element_type3A_221 = arith.truncf %div3A_220 : vector<1024x1xf32> to vector<1024x1xbf16>
    %convert_element_type3A_222 = arith.extf %convert_element_type3A_221 : vector<1024x1xbf16> to vector<1024x1xf32>
    %div3A_223 = arith.constant 1.280000e+02 : f32
    %div3A_224 = vector.broadcast %div3A_223 : f32 to vector<1024x1xf32>
    %div3A_225 = arith.divf %div3A_224, %select_n3A : vector<1024x1xf32>
    %convert_element_type3A_226 = arith.truncf %div3A_225 : vector<1024x1xf32> to vector<1024x1xbf16>
    %convert_element_type3A_227 = arith.extf %convert_element_type3A_226 : vector<1024x1xbf16> to vector<1024x1xf32>
    %mul3A_228 = arith.constant -1.280000e+02 : f32
    %mul3A_229 = vector.broadcast %mul3A_228 : f32 to vector<1024x1xf32>
    %mul3A_230 = arith.mulf %mul3A_229, %mul3A_28 : vector<1024x1xf32>
    %mul3A_231 = arith.mulf %select_n3A, %select_n3A : vector<1024x1xf32>
    %div3A_232 = arith.divf %mul3A_230, %mul3A_231 : vector<1024x1xf32>
    %convert_element_type3A_233 = arith.truncf %div3A_232 : vector<1024x1xf32> to vector<1024x1xbf16>
    %convert_element_type3A_234 = arith.extf %convert_element_type3A_233 : vector<1024x1xbf16> to vector<1024x1xf32>
    %convert_element_type3A_235 = arith.truncf %add3A_175 : vector<1024x1xf32> to vector<1024x1xbf16>
    %convert_element_type3A_236 = arith.extf %convert_element_type3A_235 : vector<1024x1xbf16> to vector<1024x1xf32>
    %convert_element_type3A_237 = arith.truncf %add3A_180 : vector<1024x1xf32> to vector<1024x1xbf16>
    %convert_element_type3A_238 = arith.extf %convert_element_type3A_237 : vector<1024x1xbf16> to vector<1024x1xf32>
    %convert_element_type3A_239 = arith.truncf %add3A_185 : vector<1024x1xf32> to vector<1024x1xbf16>
    %convert_element_type3A_240 = arith.extf %convert_element_type3A_239 : vector<1024x1xbf16> to vector<1024x1xf32>
    %convert_element_type3A_241 = arith.truncf %add3A_190 : vector<1024x1xf32> to vector<1024x1xbf16>
    %convert_element_type3A_242 = arith.extf %convert_element_type3A_241 : vector<1024x1xbf16> to vector<1024x1xf32>
    %convert_element_type3A_243 = arith.truncf %add3A_195 : vector<1024x1xf32> to vector<1024x1xbf16>
    %convert_element_type3A_244 = arith.extf %convert_element_type3A_243 : vector<1024x1xbf16> to vector<1024x1xf32>
    %convert_element_type3A_245 = arith.truncf %add3A_200 : vector<1024x1xf32> to vector<1024x1xbf16>
    %convert_element_type3A_246 = arith.extf %convert_element_type3A_245 : vector<1024x1xbf16> to vector<1024x1xf32>
    %convert_element_type3A_247 = arith.truncf %add3A_205 : vector<1024x1xf32> to vector<1024x1xbf16>
    %convert_element_type3A_248 = arith.extf %convert_element_type3A_247 : vector<1024x1xbf16> to vector<1024x1xf32>
    %convert_element_type3A_249 = arith.truncf %add3A_210 : vector<1024x1xf32> to vector<1024x1xbf16>
    %convert_element_type3A_250 = arith.extf %convert_element_type3A_249 : vector<1024x1xbf16> to vector<1024x1xf32>
    %mul3A_251 = arith.mulf %convert_element_type3A_215, %convert_element_type3A_236 : vector<1024x1xf32>
    %mul3A_252 = arith.mulf %convert_element_type3A_222, %convert_element_type3A_246 : vector<1024x1xf32>
    %add3A_253 = arith.addf %mul3A_251, %mul3A_252 : vector<1024x1xf32>
    %mul3A_254 = arith.mulf %convert_element_type3A_215, %convert_element_type3A_238 : vector<1024x1xf32>
    %mul3A_255 = arith.mulf %convert_element_type3A_222, %convert_element_type3A_248 : vector<1024x1xf32>
    %add3A_256 = arith.addf %mul3A_254, %mul3A_255 : vector<1024x1xf32>
    %mul3A_257 = arith.mulf %convert_element_type3A_215, %convert_element_type3A_240 : vector<1024x1xf32>
    %mul3A_258 = arith.mulf %convert_element_type3A_222, %convert_element_type3A_250 : vector<1024x1xf32>
    %add3A_259 = arith.addf %mul3A_257, %mul3A_258 : vector<1024x1xf32>
    %mul3A_260 = arith.mulf %convert_element_type3A_227, %convert_element_type3A_242 : vector<1024x1xf32>
    %mul3A_261 = arith.mulf %convert_element_type3A_234, %convert_element_type3A_248 : vector<1024x1xf32>
    %add3A_262 = arith.addf %mul3A_260, %mul3A_261 : vector<1024x1xf32>
    %mul3A_263 = arith.mulf %convert_element_type3A_227, %convert_element_type3A_244 : vector<1024x1xf32>
    %mul3A_264 = arith.mulf %convert_element_type3A_234, %convert_element_type3A_250 : vector<1024x1xf32>
    %add3A_265 = arith.addf %mul3A_263, %mul3A_264 : vector<1024x1xf32>
    %convert_element_type3A_266 = arith.truncf %add3A_253 : vector<1024x1xf32> to vector<1024x1xbf16>
    %convert_element_type3A_267 = arith.extf %convert_element_type3A_266 : vector<1024x1xbf16> to vector<1024x1xf32>
    %mul3A_268 = arith.mulf %convert_element_type3A_267, %convert_element_type3A_215 : vector<1024x1xf32>
    %convert_element_type3A_269 = arith.truncf %add3A_259 : vector<1024x1xf32> to vector<1024x1xbf16>
    %convert_element_type3A_270 = arith.extf %convert_element_type3A_269 : vector<1024x1xbf16> to vector<1024x1xf32>
    %mul3A_271 = arith.mulf %convert_element_type3A_270, %convert_element_type3A_222 : vector<1024x1xf32>
    %add3A_272 = arith.addf %mul3A_268, %mul3A_271 : vector<1024x1xf32>
    %convert_element_type3A_273 = arith.truncf %add3A_256 : vector<1024x1xf32> to vector<1024x1xbf16>
    %convert_element_type3A_274 = arith.extf %convert_element_type3A_273 : vector<1024x1xbf16> to vector<1024x1xf32>
    %mul3A_275 = arith.mulf %convert_element_type3A_274, %convert_element_type3A_227 : vector<1024x1xf32>
    %convert_element_type3A_276 = arith.truncf %add3A_259 : vector<1024x1xf32> to vector<1024x1xbf16>
    %convert_element_type3A_277 = arith.extf %convert_element_type3A_276 : vector<1024x1xbf16> to vector<1024x1xf32>
    %mul3A_278 = arith.mulf %convert_element_type3A_277, %convert_element_type3A_234 : vector<1024x1xf32>
    %add3A_279 = arith.addf %mul3A_275, %mul3A_278 : vector<1024x1xf32>
    %convert_element_type3A_280 = arith.truncf %add3A_262 : vector<1024x1xf32> to vector<1024x1xbf16>
    %convert_element_type3A_281 = arith.extf %convert_element_type3A_280 : vector<1024x1xbf16> to vector<1024x1xf32>
    %mul3A_282 = arith.mulf %convert_element_type3A_281, %convert_element_type3A_227 : vector<1024x1xf32>
    %convert_element_type3A_283 = arith.truncf %add3A_265 : vector<1024x1xf32> to vector<1024x1xbf16>
    %convert_element_type3A_284 = arith.extf %convert_element_type3A_283 : vector<1024x1xbf16> to vector<1024x1xf32>
    %mul3A_285 = arith.mulf %convert_element_type3A_284, %convert_element_type3A_234 : vector<1024x1xf32>
    %add3A_286 = arith.addf %mul3A_282, %mul3A_285 : vector<1024x1xf32>
    %add3A_287 = arith.constant 3.000000e-01 : f32
    %add3A_288 = vector.broadcast %add3A_287 : f32 to vector<1024x1xf32>
    %add3A_289 = arith.addf %add3A_272, %add3A_288 : vector<1024x1xf32>
    %add3A_290 = arith.constant 3.000000e-01 : f32
    %add3A_291 = vector.broadcast %add3A_290 : f32 to vector<1024x1xf32>
    %add3A_292 = arith.addf %add3A_286, %add3A_291 : vector<1024x1xf32>
    %mul3A_293 = arith.mulf %add3A_289, %add3A_292 : vector<1024x1xf32>
    %mul3A_294 = arith.mulf %add3A_279, %add3A_279 : vector<1024x1xf32>
    %sub3A_295 = arith.subf %mul3A_293, %mul3A_294 : vector<1024x1xf32>
    %gt3A_296 = arith.constant 0.000000e+00 : f32
    %gt3A_297 = vector.broadcast %gt3A_296 : f32 to vector<1024x1xf32>
    %gt3A_298 = arith.cmpf ogt, %sub3A_295, %gt3A_297 : vector<1024x1xf32>
    %and3A = arith.andi %gt3A_16, %gt3A_298 : vector<1024x1xi1>
    %jit3A_299 = arith.constant 1.000000e+00 : f32
    %broadcast_in_dim3A_300 = vector.broadcast %jit3A_299 : f32 to vector<1024x1xf32>
    %select_n3A_301 = arith.select %and3A, %sub3A_295, %broadcast_in_dim3A_300 : vector<1024x1xi1>, vector<1024x1xf32>
    %div3A_302 = arith.divf %add3A_292, %select_n3A_301 : vector<1024x1xf32>
    %neg3A = arith.constant 0.000000e+00 : f32
    %neg3A_303 = vector.broadcast %neg3A : f32 to vector<1024x1xf32>
    %neg3A_304 = arith.subf %neg3A_303, %add3A_279 : vector<1024x1xf32>
    %div3A_305 = arith.divf %neg3A_304, %select_n3A_301 : vector<1024x1xf32>
    %div3A_306 = arith.divf %add3A_289, %select_n3A_301 : vector<1024x1xf32>
    %add3A_307 = arith.addf %add3A_289, %add3A_292 : vector<1024x1xf32>
    %mul3A_308 = arith.constant 5.000000e-01 : f32
    %mul3A_309 = vector.broadcast %mul3A_308 : f32 to vector<1024x1xf32>
    %mul3A_310 = arith.mulf %mul3A_309, %add3A_307 : vector<1024x1xf32>
    %mul3A_311 = arith.mulf %mul3A_310, %mul3A_310 : vector<1024x1xf32>
    %sub3A_312 = arith.subf %mul3A_311, %sub3A_295 : vector<1024x1xf32>
    %max3A_313 = arith.constant 1.000000e-01 : f32
    %max3A_314 = vector.broadcast %max3A_313 : f32 to vector<1024x1xf32>
    %max3A_315 = arith.maximumf %max3A_314, %sub3A_312 : vector<1024x1xf32>
    %sqrt3A_316 = math.sqrt %max3A_315 : vector<1024x1xf32>
    %add3A_317 = arith.addf %mul3A_310, %sqrt3A_316 : vector<1024x1xf32>
    %sqrt3A_318 = math.sqrt %add3A_317 : vector<1024x1xf32>
    %mul3A_319 = arith.constant 3.000000e+00 : f32
    %mul3A_320 = vector.broadcast %mul3A_319 : f32 to vector<1024x1xf32>
    %mul3A_321 = arith.mulf %mul3A_320, %sqrt3A_318 : vector<1024x1xf32>
    %ceil3A = math.ceil %mul3A_321 : vector<1024x1xf32>
    %jit3A_322 = arith.constant 0.000000e+00 : f32
    %broadcast_in_dim3A_323 = vector.broadcast %jit3A_322 : f32 to vector<1024x1xf32>
    %select_n3A_324 = arith.select %and3A, %ceil3A, %broadcast_in_dim3A_323 : vector<1024x1xi1>, vector<1024x1xf32>
    %convert_element_type3A_325 = arith.fptosi %select_n3A_324 : vector<1024x1xf32> to vector<1024x1xi32>
    %swap3A = arith.constant 0 : index
    %swap3A_326 = arith.constant 0 : index
    %swap3A_327 = vector.load %arg6[%swap3A, %swap3A_326] : memref<1024x1xi32, #tpu.memory_space<vmem>>, vector<1024x1xi32>
    tpu.vector_store %arg6[%swap3A, %swap3A_326], %convert_element_type3A_325 {strides = array<i32>} : memref<1024x1xi32, #tpu.memory_space<vmem>>, vector<1024x1xi32>,
    %div3A_328 = arith.divf %convert_element_type3A_2, %select_n3A : vector<1024x1xf32>
    %div3A_329 = arith.constant 5.000000e-01 : f32
    %div3A_330 = vector.broadcast %div3A_329 : f32 to vector<1024x1xf32>
    %div3A_331 = arith.divf %div3A_328, %div3A_330 : vector<1024x1xf32>
    %div3A_332 = arith.divf %convert_element_type3A_7, %select_n3A : vector<1024x1xf32>
    %div3A_333 = arith.constant 5.000000e-01 : f32
    %div3A_334 = vector.broadcast %div3A_333 : f32 to vector<1024x1xf32>
    %div3A_335 = arith.divf %div3A_332, %div3A_334 : vector<1024x1xf32>
    %add3A_336 = arith.constant 1.000000e+00 : f32
    %add3A_337 = vector.broadcast %add3A_336 : f32 to vector<1024x1xf32>
    %add3A_338 = arith.addf %div3A_331, %add3A_337 : vector<1024x1xf32>
    %mul3A_339 = arith.constant 1.280000e+02 : f32
    %mul3A_340 = vector.broadcast %mul3A_339 : f32 to vector<1024x1xf32>
    %mul3A_341 = arith.mulf %add3A_338, %mul3A_340 : vector<1024x1xf32>
    %sub3A_342 = arith.constant 1.000000e+00 : f32
    %sub3A_343 = vector.broadcast %sub3A_342 : f32 to vector<1024x1xf32>
    %sub3A_344 = arith.subf %mul3A_341, %sub3A_343 : vector<1024x1xf32>
    %mul3A_345 = arith.constant 5.000000e-01 : f32
    %mul3A_346 = vector.broadcast %mul3A_345 : f32 to vector<1024x1xf32>
    %mul3A_347 = arith.mulf %sub3A_344, %mul3A_346 : vector<1024x1xf32>
    %add3A_348 = arith.constant 1.000000e+00 : f32
    %add3A_349 = vector.broadcast %add3A_348 : f32 to vector<1024x1xf32>
    %add3A_350 = arith.addf %div3A_335, %add3A_349 : vector<1024x1xf32>
    %mul3A_351 = arith.constant 1.280000e+02 : f32
    %mul3A_352 = vector.broadcast %mul3A_351 : f32 to vector<1024x1xf32>
    %mul3A_353 = arith.mulf %add3A_350, %mul3A_352 : vector<1024x1xf32>
    %sub3A_354 = arith.constant 1.000000e+00 : f32
    %sub3A_355 = vector.broadcast %sub3A_354 : f32 to vector<1024x1xf32>
    %sub3A_356 = arith.subf %mul3A_353, %sub3A_355 : vector<1024x1xf32>
    %mul3A_357 = arith.constant 5.000000e-01 : f32
    %mul3A_358 = vector.broadcast %mul3A_357 : f32 to vector<1024x1xf32>
    %mul3A_359 = arith.mulf %sub3A_356, %mul3A_358 : vector<1024x1xf32>
    %jit3A_360 = arith.constant 1.000000e+30 : f32
    %broadcast_in_dim3A_361 = vector.broadcast %jit3A_360 : f32 to vector<1024x1xf32>
    %select_n3A_362 = arith.select %and3A, %add3A_14, %broadcast_in_dim3A_361 : vector<1024x1xi1>, vector<1024x1xf32>
    %get3A_363 = arith.constant 0 : index
    %get3A_364 = arith.constant 0 : index
    %get3A_365 = vector.load %arg1[%get3A_363, %get3A_364] : memref<1024x1xf32, #tpu.memory_space<vmem>>, vector<1024x1xf32>
    %jit3A_366 = arith.constant 0.000000e+00 : f32
    %broadcast_in_dim3A_367 = vector.broadcast %jit3A_366 : f32 to vector<1024x1xf32>
    %select_n3A_368 = arith.select %and3A, %get3A_365, %broadcast_in_dim3A_367 : vector<1024x1xi1>, vector<1024x1xf32>
    %max3A_369 = arith.constant 1.000000e-30 : f32
    %max3A_370 = vector.broadcast %max3A_369 : f32 to vector<1024x1xf32>
    %max3A_371 = arith.maximumf %select_n3A_368, %max3A_370 : vector<1024x1xf32>
    %mul3A_372 = arith.constant 2.550000e+02 : f32
    %mul3A_373 = vector.broadcast %mul3A_372 : f32 to vector<1024x1xf32>
    %mul3A_374 = arith.mulf %mul3A_373, %max3A_371 : vector<1024x1xf32>
    %log3A = math.log %mul3A_374 : vector<1024x1xf32>
    %max3A_375 = arith.constant 0.000000e+00 : f32
    %max3A_376 = vector.broadcast %max3A_375 : f32 to vector<1024x1xf32>
    %max3A_377 = arith.maximumf %log3A, %max3A_376 : vector<1024x1xf32>
    %gt3A_378 = arith.constant 0.00392156886 : f32
    %gt3A_379 = vector.broadcast %gt3A_378 : f32 to vector<1024x1xf32>
    %gt3A_380 = arith.cmpf ogt, %select_n3A_368, %gt3A_379 : vector<1024x1xf32>
    %mul3A_381 = arith.constant 2.000000e+00 : f32
    %mul3A_382 = vector.broadcast %mul3A_381 : f32 to vector<1024x1xf32>
    %mul3A_383 = arith.mulf %mul3A_382, %max3A_377 : vector<1024x1xf32>
    %mul3A_384 = arith.mulf %mul3A_383, %add3A_289 : vector<1024x1xf32>
    %max3A_385 = arith.constant 0.000000e+00 : f32
    %max3A_386 = vector.broadcast %max3A_385 : f32 to vector<1024x1xf32>
    %max3A_387 = arith.maximumf %mul3A_384, %max3A_386 : vector<1024x1xf32>
    %sqrt3A_388 = math.sqrt %max3A_387 : vector<1024x1xf32>
    %add3A_389 = arith.constant 1.250000e-01 : f32
    %add3A_390 = vector.broadcast %add3A_389 : f32 to vector<1024x1xf32>
    %add3A_391 = arith.addf %sqrt3A_388, %add3A_390 : vector<1024x1xf32>
    %jit3A_392 = arith.constant -1.000000e+00 : f32
    %broadcast_in_dim3A_393 = vector.broadcast %jit3A_392 : f32 to vector<1024x1xf32>
    %select_n3A_394 = arith.select %gt3A_380, %add3A_391, %broadcast_in_dim3A_393 : vector<1024x1xi1>, vector<1024x1xf32>
    %mul3A_395 = arith.constant 2.000000e+00 : f32
    %mul3A_396 = vector.broadcast %mul3A_395 : f32 to vector<1024x1xf32>
    %mul3A_397 = arith.mulf %mul3A_396, %max3A_377 : vector<1024x1xf32>
    %mul3A_398 = arith.mulf %mul3A_397, %add3A_292 : vector<1024x1xf32>
    %max3A_399 = arith.constant 0.000000e+00 : f32
    %max3A_400 = vector.broadcast %max3A_399 : f32 to vector<1024x1xf32>
    %max3A_401 = arith.maximumf %mul3A_398, %max3A_400 : vector<1024x1xf32>
    %sqrt3A_402 = math.sqrt %max3A_401 : vector<1024x1xf32>
    %add3A_403 = arith.constant 1.250000e-01 : f32
    %add3A_404 = vector.broadcast %add3A_403 : f32 to vector<1024x1xf32>
    %add3A_405 = arith.addf %sqrt3A_402, %add3A_404 : vector<1024x1xf32>
    %jit3A_406 = arith.constant -1.000000e+00 : f32
    %broadcast_in_dim3A_407 = vector.broadcast %jit3A_406 : f32 to vector<1024x1xf32>
    %select_n3A_408 = arith.select %gt3A_380, %add3A_405, %broadcast_in_dim3A_407 : vector<1024x1xi1>, vector<1024x1xf32>
    %swap3A_409 = arith.constant 0 : index
    %swap3A_410 = arith.constant 0 : index
    %swap3A_411 = vector.load %arg5[%swap3A_409, %swap3A_410] : memref<1024x16xf32, #tpu.memory_space<vmem>>, vector<1024x1xf32>
    tpu.vector_store %arg5[%swap3A_409, %swap3A_410], %select_n3A_362 {strides = array<i32>} : memref<1024x16xf32, #tpu.memory_space<vmem>>, vector<1024x1xf32>,
    %swap3A_412 = arith.constant 0 : index
    %swap3A_413 = arith.constant 1 : index
    %swap3A_414 = vector.load %arg5[%swap3A_412, %swap3A_413] : memref<1024x16xf32, #tpu.memory_space<vmem>>, vector<1024x1xf32>
    tpu.vector_store %arg5[%swap3A_412, %swap3A_413], %mul3A_347 {strides = array<i32>} : memref<1024x16xf32, #tpu.memory_space<vmem>>, vector<1024x1xf32>,
    %swap3A_415 = arith.constant 0 : index
    %swap3A_416 = arith.constant 2 : index
    %swap3A_417 = vector.load %arg5[%swap3A_415, %swap3A_416] : memref<1024x16xf32, #tpu.memory_space<vmem>>, vector<1024x1xf32>
    tpu.vector_store %arg5[%swap3A_415, %swap3A_416], %mul3A_359 {strides = array<i32>} : memref<1024x16xf32, #tpu.memory_space<vmem>>, vector<1024x1xf32>,
    %swap3A_418 = arith.constant 0 : index
    %swap3A_419 = arith.constant 3 : index
    %swap3A_420 = vector.load %arg5[%swap3A_418, %swap3A_419] : memref<1024x16xf32, #tpu.memory_space<vmem>>, vector<1024x1xf32>
    tpu.vector_store %arg5[%swap3A_418, %swap3A_419], %div3A_302 {strides = array<i32>} : memref<1024x16xf32, #tpu.memory_space<vmem>>, vector<1024x1xf32>,
    %swap3A_421 = arith.constant 0 : index
    %swap3A_422 = arith.constant 4 : index
    %swap3A_423 = vector.load %arg5[%swap3A_421, %swap3A_422] : memref<1024x16xf32, #tpu.memory_space<vmem>>, vector<1024x1xf32>
    tpu.vector_store %arg5[%swap3A_421, %swap3A_422], %div3A_305 {strides = array<i32>} : memref<1024x16xf32, #tpu.memory_space<vmem>>, vector<1024x1xf32>,
    %swap3A_424 = arith.constant 0 : index
    %swap3A_425 = arith.constant 5 : index
    %swap3A_426 = vector.load %arg5[%swap3A_424, %swap3A_425] : memref<1024x16xf32, #tpu.memory_space<vmem>>, vector<1024x1xf32>
    tpu.vector_store %arg5[%swap3A_424, %swap3A_425], %div3A_306 {strides = array<i32>} : memref<1024x16xf32, #tpu.memory_space<vmem>>, vector<1024x1xf32>,
    %swap3A_427 = arith.constant 0 : index
    %swap3A_428 = arith.constant 6 : index
    %swap3A_429 = vector.load %arg5[%swap3A_427, %swap3A_428] : memref<1024x16xf32, #tpu.memory_space<vmem>>, vector<1024x1xf32>
    tpu.vector_store %arg5[%swap3A_427, %swap3A_428], %select_n3A_368 {strides = array<i32>} : memref<1024x16xf32, #tpu.memory_space<vmem>>, vector<1024x1xf32>,
    %get3A_430 = arith.constant 0 : index
    %get3A_431 = arith.constant 0 : index
    %get3A_432 = vector.load %arg2[%get3A_430, %get3A_431] : memref<1024x3xf32, #tpu.memory_space<vmem>>, vector<1024x1xf32>
    %swap3A_433 = arith.constant 0 : index
    %swap3A_434 = arith.constant 7 : index
    %swap3A_435 = vector.load %arg5[%swap3A_433, %swap3A_434] : memref<1024x16xf32, #tpu.memory_space<vmem>>, vector<1024x1xf32>
    tpu.vector_store %arg5[%swap3A_433, %swap3A_434], %get3A_432 {strides = array<i32>} : memref<1024x16xf32, #tpu.memory_space<vmem>>, vector<1024x1xf32>,
    %get3A_436 = arith.constant 0 : index
    %get3A_437 = arith.constant 1 : index
    %get3A_438 = vector.load %arg2[%get3A_436, %get3A_437] : memref<1024x3xf32, #tpu.memory_space<vmem>>, vector<1024x1xf32>
    %swap3A_439 = arith.constant 0 : index
    %swap3A_440 = arith.constant 8 : index
    %swap3A_441 = vector.load %arg5[%swap3A_439, %swap3A_440] : memref<1024x16xf32, #tpu.memory_space<vmem>>, vector<1024x1xf32>
    tpu.vector_store %arg5[%swap3A_439, %swap3A_440], %get3A_438 {strides = array<i32>} : memref<1024x16xf32, #tpu.memory_space<vmem>>, vector<1024x1xf32>,
    %get3A_442 = arith.constant 0 : index
    %get3A_443 = arith.constant 2 : index
    %get3A_444 = vector.load %arg2[%get3A_442, %get3A_443] : memref<1024x3xf32, #tpu.memory_space<vmem>>, vector<1024x1xf32>
    %swap3A_445 = arith.constant 0 : index
    %swap3A_446 = arith.constant 9 : index
    %swap3A_447 = vector.load %arg5[%swap3A_445, %swap3A_446] : memref<1024x16xf32, #tpu.memory_space<vmem>>, vector<1024x1xf32>
    tpu.vector_store %arg5[%swap3A_445, %swap3A_446], %get3A_444 {strides = array<i32>} : memref<1024x16xf32, #tpu.memory_space<vmem>>, vector<1024x1xf32>,
    %swap3A_448 = arith.constant 0 : index
    %swap3A_449 = arith.constant 10 : index
    %swap3A_450 = vector.load %arg5[%swap3A_448, %swap3A_449] : memref<1024x16xf32, #tpu.memory_space<vmem>>, vector<1024x1xf32>
    tpu.vector_store %arg5[%swap3A_448, %swap3A_449], %select_n3A_394 {strides = array<i32>} : memref<1024x16xf32, #tpu.memory_space<vmem>>, vector<1024x1xf32>,
    %swap3A_451 = arith.constant 0 : index
    %swap3A_452 = arith.constant 11 : index
    %swap3A_453 = vector.load %arg5[%swap3A_451, %swap3A_452] : memref<1024x16xf32, #tpu.memory_space<vmem>>, vector<1024x1xf32>
    tpu.vector_store %arg5[%swap3A_451, %swap3A_452], %select_n3A_408 {strides = array<i32>} : memref<1024x16xf32, #tpu.memory_space<vmem>>, vector<1024x1xf32>,
    %broadcast_in_dim3A_454 = arith.constant 0.000000e+00 : f32
    %broadcast_in_dim3A_455 = vector.broadcast %broadcast_in_dim3A_454 : f32 to vector<1024x4xf32>
    %swap3A_456 = arith.constant 0 : index
    %swap3A_457 = arith.constant 12 : index
    %swap3A_458 = vector.load %arg5[%swap3A_456, %swap3A_457] : memref<1024x16xf32, #tpu.memory_space<vmem>>, vector<1024x4xf32>
    tpu.vector_store %arg5[%swap3A_456, %swap3A_457], %broadcast_in_dim3A_455 {strides = array<i32>} : memref<1024x16xf32, #tpu.memory_space<vmem>>, vector<1024x4xf32>,
    return
  }
}

module attributes {stable_mosaic.version = 14 : i64} {
  func.func @_sort_kernel(%arg0: memref<1024x16xf32, #tpu.memory_space<vmem>>, %arg1: memref<16x1024xf32, #tpu.memory_space<vmem>>, %arg2: memref<1024x16xf32, #tpu.memory_space<vmem>>, %arg3: memref<16x1024xf32, #tpu.memory_space<vmem>>) attributes {dimension_semantics = [], scalar_prefetch = 0 : i64, scratch_operands = 0 : i64, tpu.core_type = #tpu.core_type<tc>} {
    %get3A = arith.constant 0 : index
    %get3A_0 = arith.constant 0 : index
    %get3A_1 = vector.load %arg0[%get3A, %get3A_0] : memref<1024x16xf32, #tpu.memory_space<vmem>>, vector<1024x1xf32>
    %get3A_2 = arith.constant 0 : index
    %get3A_3 = arith.constant 0 : index
    %get3A_4 = vector.load %arg1[%get3A_2, %get3A_3] : memref<16x1024xf32, #tpu.memory_space<vmem>>, vector<1x1024xf32>
    %iota3A = tpu.iota {dimensions = array<i32: 0>} : vector<1024x1024xi32>
    %iota3A_5 = tpu.iota {dimensions = array<i32: 1>} : vector<1024x1024xi32>
    %lt3A = vector.broadcast %get3A_4 : vector<1x1024xf32> to vector<1024x1024xf32>
    %lt3A_6 = vector.broadcast %get3A_1 : vector<1024x1xf32> to vector<1024x1024xf32>
    %lt3A_7 = arith.cmpf olt, %lt3A, %lt3A_6 : vector<1024x1024xf32>
    %eq3A = vector.broadcast %get3A_4 : vector<1x1024xf32> to vector<1024x1024xf32>
    %eq3A_8 = vector.broadcast %get3A_1 : vector<1024x1xf32> to vector<1024x1024xf32>
    %eq3A_9 = arith.cmpf oeq, %eq3A, %eq3A_8 : vector<1024x1024xf32>
    %lt3A_10 = arith.cmpi slt, %iota3A_5, %iota3A : vector<1024x1024xi32>
    %and3A = arith.andi %eq3A_9, %lt3A_10 : vector<1024x1024xi1>
    %or3A = arith.ori %lt3A_7, %and3A : vector<1024x1024xi1>
    %convert_element_type3A = arith.extui %or3A : vector<1024x1024xi1> to vector<1024x1024xi32>
    %reduce_sum3A = arith.constant dense<0> : vector<1024xi32>
    %reduce_sum3A_11 = vector.multi_reduction <add>, %convert_element_type3A, %reduce_sum3A [1] : vector<1024x1024xi32> to vector<1024xi32>
    %broadcast_in_dim3A = vector.shape_cast %reduce_sum3A_11 : vector<1024xi32> to vector<1024x1xi32>
    %eq3A_12 = vector.broadcast %broadcast_in_dim3A : vector<1024x1xi32> to vector<1024x1024xi32>
    %eq3A_13 = arith.cmpi eq, %iota3A_5, %eq3A_12 : vector<1024x1024xi32>
    %convert_element_type3A_14 = arith.extui %eq3A_13 : vector<1024x1024xi1> to vector<1024x1024xi32>
    %convert_element_type3A_15 = arith.sitofp %convert_element_type3A_14 : vector<1024x1024xi32> to vector<1024x1024xf32>
    %get3A_16 = arith.constant 0 : index
    %get3A_17 = arith.constant 0 : index
    %get3A_18 = vector.load %arg1[%get3A_16, %get3A_17] : memref<16x1024xf32, #tpu.memory_space<vmem>>, vector<16x1024xf32>
    %dot_general3A = arith.constant dense<0.000000e+00> : vector<16x1024xf32>
    %dot_general3A_19 = tpu.matmul %get3A_18, %convert_element_type3A_15, %dot_general3A {dimension_numbers = #tpu.dot_dimension_numbers<[1], [0], [0], [1], [0, 0, 1, 1], [], []>, precision = #tpu.contract_precision<fp32>, transpose_lhs_hint = false} : vector<16x1024xf32>, vector<1024x1024xf32>, vector<16x1024xf32> -> vector<16x1024xf32>
    %swap3A = arith.constant 0 : index
    %swap3A_20 = arith.constant 0 : index
    %swap3A_21 = vector.load %arg3[%swap3A, %swap3A_20] : memref<16x1024xf32, #tpu.memory_space<vmem>>, vector<16x1024xf32>
    tpu.vector_store %arg3[%swap3A, %swap3A_20], %dot_general3A_19 {strides = array<i32>} : memref<16x1024xf32, #tpu.memory_space<vmem>>, vector<16x1024xf32>,
    %get3A_22 = arith.constant 0 : index
    %get3A_23 = arith.constant 0 : index
    %get3A_24 = vector.load %arg0[%get3A_22, %get3A_23] : memref<1024x16xf32, #tpu.memory_space<vmem>>, vector<1024x16xf32>
    %dot_general3A_25 = arith.constant dense<0.000000e+00> : vector<1024x16xf32>
    %dot_general3A_26 = tpu.matmul %convert_element_type3A_15, %get3A_24, %dot_general3A_25 {dimension_numbers = #tpu.dot_dimension_numbers<[0], [0], [1], [1], [0, 1, 1, 1], [], []>, precision = #tpu.contract_precision<fp32>, transpose_lhs_hint = false} : vector<1024x1024xf32>, vector<1024x16xf32>, vector<1024x16xf32> -> vector<1024x16xf32>
    %swap3A_27 = arith.constant 0 : index
    %swap3A_28 = arith.constant 0 : index
    %swap3A_29 = vector.load %arg2[%swap3A_27, %swap3A_28] : memref<1024x16xf32, #tpu.memory_space<vmem>>, vector<1024x16xf32>
    tpu.vector_store %arg2[%swap3A_27, %swap3A_28], %dot_general3A_26 {strides = array<i32>} : memref<1024x16xf32, #tpu.memory_space<vmem>>, vector<1024x16xf32>,
    return
  }
}

module attributes {stable_mosaic.version = 14 : i64} {
  func.func @_raster_kernel(%arg0: i32, %arg1: memref<64xi32, #tpu.memory_space<smem>>, %arg2: memref<1024x16xf32, #tpu.memory_space<vmem>>, %arg3: memref<64x1024xi32, #tpu.memory_space<vmem>>, %arg4: memref<3x256xf32, #tpu.memory_space<vmem>>) attributes {dimension_semantics = [#tpu.dimension_semantics<arbitrary>], iteration_bounds = array<i64: 64>, scalar_prefetch = 1 : i64, scratch_operands = 0 : i64, tpu.core_type = #tpu.core_type<tc>, window_params = [{pipeline_mode = #tpu.pipeline_mode<synchronous>, transform_indices = @transform_0, window_bounds = array<i64: 1024, 16>}, {pipeline_mode = #tpu.pipeline_mode<synchronous>, transform_indices = @transform_1, window_bounds = array<i64: 64, 1024>}, {transform_indices = @transform_2, window_bounds = array<i64: 3, 256>}]} {
    %jit3A = arith.constant 8 : i32
    %eq3A = arith.constant 0 : i32
    %eq3A_0 = arith.cmpi eq, %jit3A, %eq3A : i32
    %jit3A_1 = arith.constant 1 : i32
    %select_n3A = arith.select %eq3A_0, %jit3A_1, %jit3A : i32
    %rem3A = arith.remsi %arg0, %select_n3A : i32
    %ne3A = arith.constant 0 : i32
    %ne3A_2 = arith.cmpi ne, %rem3A, %ne3A : i32
    %lt3A = arith.constant 0 : i32
    %lt3A_3 = arith.cmpi slt, %rem3A, %lt3A : i32
    %lt3A_4 = arith.constant 0 : i32
    %lt3A_5 = arith.cmpi slt, %select_n3A, %lt3A_4 : i32
    %ne3A_6 = arith.xori %lt3A_3, %lt3A_5 : i1
    %and3A = arith.andi %ne3A_6, %ne3A_2 : i1
    %add3A = arith.addi %rem3A, %select_n3A : i32
    %select_n3A_7 = arith.select %and3A, %add3A, %rem3A : i32
    %mul3A = arith.constant 16 : i32
    %mul3A_8 = arith.muli %select_n3A_7, %mul3A : i32
    %jit3A_9 = arith.constant 8 : i32
    %div3A = arith.divsi %arg0, %jit3A_9 : i32
    %sign3A = arith.constant 0 : i32
    %sign3A_10 = arith.cmpi sgt, %arg0, %sign3A : i32
    %sign3A_11 = arith.extui %sign3A_10 : i1 to i32
    %sign3A_12 = arith.constant 0 : i32
    %sign3A_13 = arith.cmpi slt, %arg0, %sign3A_12 : i32
    %sign3A_14 = arith.extui %sign3A_13 : i1 to i32
    %sign3A_15 = arith.subi %sign3A_11, %sign3A_14 : i32
    %sign3A_16 = arith.constant 0 : i32
    %sign3A_17 = arith.cmpi sgt, %jit3A_9, %sign3A_16 : i32
    %sign3A_18 = arith.extui %sign3A_17 : i1 to i32
    %sign3A_19 = arith.constant 0 : i32
    %sign3A_20 = arith.cmpi slt, %jit3A_9, %sign3A_19 : i32
    %sign3A_21 = arith.extui %sign3A_20 : i1 to i32
    %sign3A_22 = arith.subi %sign3A_18, %sign3A_21 : i32
    %ne3A_23 = arith.cmpi ne, %sign3A_15, %sign3A_22 : i32
    %rem3A_24 = arith.remsi %arg0, %jit3A_9 : i32
    %ne3A_25 = arith.constant 0 : i32
    %ne3A_26 = arith.cmpi ne, %rem3A_24, %ne3A_25 : i32
    %and3A_27 = arith.andi %ne3A_23, %ne3A_26 : i1
    %sub3A = arith.constant 1 : i32
    %sub3A_28 = arith.subi %div3A, %sub3A : i32
    %select_n3A_29 = arith.select %and3A_27, %sub3A_28, %div3A : i32
    %mul3A_30 = arith.constant 16 : i32
    %mul3A_31 = arith.muli %select_n3A_29, %mul3A_30 : i32
    %iota3A = tpu.iota {dimensions = array<i32: 1>} : vector<1x256xi32>
    %jit3A_32 = arith.constant 16 : i32
    %eq3A_33 = arith.constant 0 : i32
    %eq3A_34 = arith.cmpi eq, %jit3A_32, %eq3A_33 : i32
    %jit3A_35 = arith.constant 1 : i32
    %select_n3A_36 = arith.select %eq3A_34, %jit3A_35, %jit3A_32 : i32
    %rem3A_37 = vector.broadcast %select_n3A_36 : i32 to vector<1x256xi32>
    %rem3A_38 = arith.remsi %iota3A, %rem3A_37 : vector<1x256xi32>
    %ne3A_39 = arith.constant 0 : i32
    %ne3A_40 = vector.broadcast %ne3A_39 : i32 to vector<1x256xi32>
    %ne3A_41 = arith.cmpi ne, %rem3A_38, %ne3A_40 : vector<1x256xi32>
    %lt3A_42 = arith.constant 0 : i32
    %lt3A_43 = vector.broadcast %lt3A_42 : i32 to vector<1x256xi32>
    %lt3A_44 = arith.cmpi slt, %rem3A_38, %lt3A_43 : vector<1x256xi32>
    %lt3A_45 = arith.constant 0 : i32
    %lt3A_46 = arith.cmpi slt, %select_n3A_36, %lt3A_45 : i32
    %ne3A_47 = vector.broadcast %lt3A_46 : i1 to vector<1x256xi1>
    %ne3A_48 = vector.broadcast %ne3A_47 : vector<1x256xi1> to vector<1x256xi1>
    %ne3A_49 = arith.xori %lt3A_44, %ne3A_48 : vector<1x256xi1>
    %and3A_50 = arith.andi %ne3A_49, %ne3A_41 : vector<1x256xi1>
    %add3A_51 = vector.broadcast %select_n3A_36 : i32 to vector<1x256xi32>
    %add3A_52 = arith.addi %rem3A_38, %add3A_51 : vector<1x256xi32>
    %select_n3A_53 = arith.select %and3A_50, %add3A_52, %rem3A_38 : vector<1x256xi1>, vector<1x256xi32>
    %add3A_54 = vector.broadcast %mul3A_8 : i32 to vector<1x256xi32>
    %add3A_55 = arith.addi %add3A_54, %select_n3A_53 : vector<1x256xi32>
    %convert_element_type3A = arith.sitofp %add3A_55 : vector<1x256xi32> to vector<1x256xf32>
    %jit3A_56 = arith.constant 16 : i32
    %div3A_57 = vector.broadcast %jit3A_56 : i32 to vector<1x256xi32>
    %div3A_58 = arith.divsi %iota3A, %div3A_57 : vector<1x256xi32>
    %sign3A_59 = arith.constant 0 : i32
    %sign3A_60 = vector.broadcast %sign3A_59 : i32 to vector<1x256xi32>
    %sign3A_61 = arith.cmpi sgt, %iota3A, %sign3A_60 : vector<1x256xi32>
    %sign3A_62 = arith.extui %sign3A_61 : vector<1x256xi1> to vector<1x256xi32>
    %sign3A_63 = arith.constant 0 : i32
    %sign3A_64 = vector.broadcast %sign3A_63 : i32 to vector<1x256xi32>
    %sign3A_65 = arith.cmpi slt, %iota3A, %sign3A_64 : vector<1x256xi32>
    %sign3A_66 = arith.extui %sign3A_65 : vector<1x256xi1> to vector<1x256xi32>
    %sign3A_67 = arith.subi %sign3A_62, %sign3A_66 : vector<1x256xi32>
    %sign3A_68 = arith.constant 0 : i32
    %sign3A_69 = arith.cmpi sgt, %jit3A_56, %sign3A_68 : i32
    %sign3A_70 = arith.extui %sign3A_69 : i1 to i32
    %sign3A_71 = arith.constant 0 : i32
    %sign3A_72 = arith.cmpi slt, %jit3A_56, %sign3A_71 : i32
    %sign3A_73 = arith.extui %sign3A_72 : i1 to i32
    %sign3A_74 = arith.subi %sign3A_70, %sign3A_73 : i32
    %ne3A_75 = vector.broadcast %sign3A_74 : i32 to vector<1x256xi32>
    %ne3A_76 = arith.cmpi ne, %sign3A_67, %ne3A_75 : vector<1x256xi32>
    %rem3A_77 = vector.broadcast %jit3A_56 : i32 to vector<1x256xi32>
    %rem3A_78 = arith.remsi %iota3A, %rem3A_77 : vector<1x256xi32>
    %ne3A_79 = arith.constant 0 : i32
    %ne3A_80 = vector.broadcast %ne3A_79 : i32 to vector<1x256xi32>
    %ne3A_81 = arith.cmpi ne, %rem3A_78, %ne3A_80 : vector<1x256xi32>
    %and3A_82 = arith.andi %ne3A_76, %ne3A_81 : vector<1x256xi1>
    %sub3A_83 = arith.constant 1 : i32
    %sub3A_84 = vector.broadcast %sub3A_83 : i32 to vector<1x256xi32>
    %sub3A_85 = arith.subi %div3A_58, %sub3A_84 : vector<1x256xi32>
    %select_n3A_86 = arith.select %and3A_82, %sub3A_85, %div3A_58 : vector<1x256xi1>, vector<1x256xi32>
    %add3A_87 = vector.broadcast %mul3A_31 : i32 to vector<1x256xi32>
    %add3A_88 = arith.addi %add3A_87, %select_n3A_86 : vector<1x256xi32>
    %convert_element_type3A_89 = arith.sitofp %add3A_88 : vector<1x256xi32> to vector<1x256xf32>
    %iota3A_90 = tpu.iota {dimensions = array<i32: 0>} : vector<128x128xi32>
    %iota3A_91 = tpu.iota {dimensions = array<i32: 1>} : vector<128x128xi32>
    %gt3A = arith.cmpi sgt, %iota3A_90, %iota3A_91 : vector<128x128xi32>
    %convert_element_type3A_92 = arith.extui %gt3A : vector<128x128xi1> to vector<128x128xi32>
    %convert_element_type3A_93 = arith.sitofp %convert_element_type3A_92 : vector<128x128xi32> to vector<128x128xf32>
    %convert_element_type3A_94 = arith.truncf %convert_element_type3A_93 : vector<128x128xf32> to vector<128x128xbf16>
    %iota3A_95 = tpu.iota {dimensions = array<i32: 0>} : vector<128x1xi32>
    %broadcast_in_dim3A = arith.constant 0.000000e+00 : f32
    %broadcast_in_dim3A_96 = vector.broadcast %broadcast_in_dim3A : f32 to vector<1x256xf32>
    %get3A = arith.index_cast %arg0 : i32 to index
    %get3A_97 = memref.load %arg1[%get3A] : memref<64xi32, #tpu.memory_space<smem>>
    %while3A = arith.constant 0 : i32
    %while3A_98 = arith.subi %get3A_97, %while3A : i32
    %while3A_99 = arith.addi %while3A, %while3A_98 : i32
    %while3A_100 = arith.constant 1 : i32
    %while3A_101 = arith.divsi %while3A_98, %while3A_100 : i32
    %while3A_102 = arith.muli %while3A_101, %while3A_100 : i32
    %while3A_103 = arith.addi %while3A, %while3A_102 : i32
    %while3A_104 = arith.constant 1 : i32
    %while3A_105:4 = scf.for %while3A_116 = %while3A to %while3A_103 step %while3A_104 iter_args(%while3A_117 = %broadcast_in_dim3A_96, %while3A_118 = %broadcast_in_dim3A_96, %while3A_119 = %broadcast_in_dim3A_96, %while3A_120 = %broadcast_in_dim3A_96) -> (vector<1x256xf32>, vector<1x256xf32>, vector<1x256xf32>, vector<1x256xf32>)  : i32 {
      %get3A_121 = arith.index_cast %arg0 : i32 to index
      %get3A_122 = arith.constant 0 : index
      %get3A_123 = vector.load %arg3[%get3A_121, %get3A_122] : memref<64x1024xi32, #tpu.memory_space<vmem>>, vector<1x1024xi32>
      %mul3A_124 = arith.constant 128 : i32
      %mul3A_125 = arith.muli %while3A_116, %mul3A_124 : i32
      %sub3A_126 = vector.broadcast %mul3A_125 : i32 to vector<1x1024xi32>
      %sub3A_127 = arith.subi %get3A_123, %sub3A_126 : vector<1x1024xi32>
      %eq3A_128 = vector.broadcast %iota3A_95 : vector<128x1xi32> to vector<128x1024xi32>
      %eq3A_129 = vector.broadcast %sub3A_127 : vector<1x1024xi32> to vector<128x1024xi32>
      %eq3A_130 = arith.cmpi eq, %eq3A_128, %eq3A_129 : vector<128x1024xi32>
      %convert_element_type3A_131 = arith.extui %eq3A_130 : vector<128x1024xi1> to vector<128x1024xi32>
      %convert_element_type3A_132 = arith.sitofp %convert_element_type3A_131 : vector<128x1024xi32> to vector<128x1024xf32>
      %get3A_133 = arith.constant 0 : index
      %get3A_134 = arith.constant 0 : index
      %get3A_135 = vector.load %arg2[%get3A_133, %get3A_134] : memref<1024x16xf32, #tpu.memory_space<vmem>>, vector<1024x16xf32>
      %dot_general3A = arith.constant dense<0.000000e+00> : vector<128x16xf32>
      %dot_general3A_136 = tpu.matmul %convert_element_type3A_132, %get3A_135, %dot_general3A {dimension_numbers = #tpu.dot_dimension_numbers<[1], [0], [0], [1], [0, 0, 1, 1], [], []>, precision = #tpu.contract_precision<fp32>, transpose_lhs_hint = false} : vector<128x1024xf32>, vector<1024x16xf32>, vector<128x16xf32> -> vector<128x16xf32>
      %slice3A = vector.extract_strided_slice %dot_general3A_136 {offsets = [0, 1], sizes = [128, 1], strides = [1, 1]} : vector<128x16xf32> to vector<128x1xf32>
      %slice3A_137 = vector.extract_strided_slice %dot_general3A_136 {offsets = [0, 2], sizes = [128, 1], strides = [1, 1]} : vector<128x16xf32> to vector<128x1xf32>
      %slice3A_138 = vector.extract_strided_slice %dot_general3A_136 {offsets = [0, 3], sizes = [128, 1], strides = [1, 1]} : vector<128x16xf32> to vector<128x1xf32>
      %slice3A_139 = vector.extract_strided_slice %dot_general3A_136 {offsets = [0, 4], sizes = [128, 1], strides = [1, 1]} : vector<128x16xf32> to vector<128x1xf32>
      %slice3A_140 = vector.extract_strided_slice %dot_general3A_136 {offsets = [0, 5], sizes = [128, 1], strides = [1, 1]} : vector<128x16xf32> to vector<128x1xf32>
      %slice3A_141 = vector.extract_strided_slice %dot_general3A_136 {offsets = [0, 6], sizes = [128, 1], strides = [1, 1]} : vector<128x16xf32> to vector<128x1xf32>
      %slice3A_142 = vector.extract_strided_slice %dot_general3A_136 {offsets = [0, 7], sizes = [128, 1], strides = [1, 1]} : vector<128x16xf32> to vector<128x1xf32>
      %convert_element_type3A_143 = arith.truncf %slice3A_142 : vector<128x1xf32> to vector<128x1xbf16>
      %convert_element_type3A_144 = arith.extf %convert_element_type3A_143 : vector<128x1xbf16> to vector<128x1xf32>
      %slice3A_145 = vector.extract_strided_slice %dot_general3A_136 {offsets = [0, 8], sizes = [128, 1], strides = [1, 1]} : vector<128x16xf32> to vector<128x1xf32>
      %convert_element_type3A_146 = arith.truncf %slice3A_145 : vector<128x1xf32> to vector<128x1xbf16>
      %convert_element_type3A_147 = arith.extf %convert_element_type3A_146 : vector<128x1xbf16> to vector<128x1xf32>
      %slice3A_148 = vector.extract_strided_slice %dot_general3A_136 {offsets = [0, 9], sizes = [128, 1], strides = [1, 1]} : vector<128x16xf32> to vector<128x1xf32>
      %convert_element_type3A_149 = arith.truncf %slice3A_148 : vector<128x1xf32> to vector<128x1xbf16>
      %convert_element_type3A_150 = arith.extf %convert_element_type3A_149 : vector<128x1xbf16> to vector<128x1xf32>
      %sub3A_151 = vector.broadcast %slice3A : vector<128x1xf32> to vector<128x256xf32>
      %sub3A_152 = vector.broadcast %convert_element_type3A : vector<1x256xf32> to vector<128x256xf32>
      %sub3A_153 = arith.subf %sub3A_151, %sub3A_152 : vector<128x256xf32>
      %sub3A_154 = vector.broadcast %slice3A_137 : vector<128x1xf32> to vector<128x256xf32>
      %sub3A_155 = vector.broadcast %convert_element_type3A_89 : vector<1x256xf32> to vector<128x256xf32>
      %sub3A_156 = arith.subf %sub3A_154, %sub3A_155 : vector<128x256xf32>
      %mul3A_157 = vector.broadcast %slice3A_138 : vector<128x1xf32> to vector<128x256xf32>
      %mul3A_158 = arith.mulf %mul3A_157, %sub3A_153 : vector<128x256xf32>
      %mul3A_159 = arith.mulf %mul3A_158, %sub3A_153 : vector<128x256xf32>
      %mul3A_160 = vector.broadcast %slice3A_140 : vector<128x1xf32> to vector<128x256xf32>
      %mul3A_161 = arith.mulf %mul3A_160, %sub3A_156 : vector<128x256xf32>
      %mul3A_162 = arith.mulf %mul3A_161, %sub3A_156 : vector<128x256xf32>
      %add3A_163 = arith.addf %mul3A_159, %mul3A_162 : vector<128x256xf32>
      %mul3A_164 = arith.constant -5.000000e-01 : f32
      %mul3A_165 = vector.broadcast %mul3A_164 : f32 to vector<128x256xf32>
      %mul3A_166 = arith.mulf %mul3A_165, %add3A_163 : vector<128x256xf32>
      %mul3A_167 = vector.broadcast %slice3A_139 : vector<128x1xf32> to vector<128x256xf32>
      %mul3A_168 = arith.mulf %mul3A_167, %sub3A_153 : vector<128x256xf32>
      %mul3A_169 = arith.mulf %mul3A_168, %sub3A_156 : vector<128x256xf32>
      %sub3A_170 = arith.subf %mul3A_166, %mul3A_169 : vector<128x256xf32>
      %min3A = arith.constant 0.000000e+00 : f32
      %min3A_171 = vector.broadcast %min3A : f32 to vector<128x256xf32>
      %min3A_172 = arith.minimumf %sub3A_170, %min3A_171 : vector<128x256xf32>
      %exp3A = math.exp %min3A_172 : vector<128x256xf32>
      %mul3A_173 = vector.broadcast %slice3A_141 : vector<128x1xf32> to vector<128x256xf32>
      %mul3A_174 = arith.mulf %mul3A_173, %exp3A : vector<128x256xf32>
      %le3A = arith.constant 0.000000e+00 : f32
      %le3A_175 = vector.broadcast %le3A : f32 to vector<128x256xf32>
      %le3A_176 = arith.cmpf ole, %sub3A_170, %le3A_175 : vector<128x256xf32>
      %min3A_177 = arith.constant 9.900000e-01 : f32
      %min3A_178 = vector.broadcast %min3A_177 : f32 to vector<128x256xf32>
      %min3A_179 = arith.minimumf %mul3A_174, %min3A_178 : vector<128x256xf32>
      %jit3A_180 = arith.constant 0.000000e+00 : f32
      %broadcast_in_dim3A_181 = vector.broadcast %jit3A_180 : f32 to vector<128x256xf32>
      %select_n3A_182 = arith.select %le3A_176, %min3A_179, %broadcast_in_dim3A_181 : vector<128x256xi1>, vector<128x256xf32>
      %ge3A = arith.constant 0.00392156886 : f32
      %ge3A_183 = vector.broadcast %ge3A : f32 to vector<128x256xf32>
      %ge3A_184 = arith.cmpf oge, %select_n3A_182, %ge3A_183 : vector<128x256xf32>
      %jit3A_185 = arith.constant 0.000000e+00 : f32
      %broadcast_in_dim3A_186 = vector.broadcast %jit3A_185 : f32 to vector<128x256xf32>
      %select_n3A_187 = arith.select %ge3A_184, %select_n3A_182, %broadcast_in_dim3A_186 : vector<128x256xi1>, vector<128x256xf32>
      %sub3A_188 = arith.constant 1.000000e+00 : f32
      %sub3A_189 = vector.broadcast %sub3A_188 : f32 to vector<128x256xf32>
      %sub3A_190 = arith.subf %sub3A_189, %select_n3A_187 : vector<128x256xf32>
      %log3A = math.log %sub3A_190 : vector<128x256xf32>
      %convert_element_type3A_191 = arith.truncf %log3A : vector<128x256xf32> to vector<128x256xbf16>
      %convert_element_type3A_192 = arith.extf %convert_element_type3A_191 : vector<128x256xbf16> to vector<128x256xf32>
      %sub3A_193 = arith.subf %log3A, %convert_element_type3A_192 : vector<128x256xf32>
      %convert_element_type3A_194 = arith.truncf %sub3A_193 : vector<128x256xf32> to vector<128x256xbf16>
      %dot_general3A_195 = arith.constant dense<0.000000e+00> : vector<128x256xf32>
      %dot_general3A_196 = tpu.matmul %convert_element_type3A_94, %convert_element_type3A_191, %dot_general3A_195 {dimension_numbers = #tpu.dot_dimension_numbers<[1], [0], [0], [1], [0, 0, 1, 1], [], []>, transpose_lhs_hint = false} : vector<128x128xbf16>, vector<128x256xbf16>, vector<128x256xf32> -> vector<128x256xf32>
      %dot_general3A_197 = arith.constant dense<0.000000e+00> : vector<128x256xf32>
      %dot_general3A_198 = tpu.matmul %convert_element_type3A_94, %convert_element_type3A_194, %dot_general3A_197 {dimension_numbers = #tpu.dot_dimension_numbers<[1], [0], [0], [1], [0, 0, 1, 1], [], []>, transpose_lhs_hint = false} : vector<128x128xbf16>, vector<128x256xbf16>, vector<128x256xf32> -> vector<128x256xf32>
      %add3A_199 = arith.addf %dot_general3A_196, %dot_general3A_198 : vector<128x256xf32>
      %add3A_200 = vector.broadcast %while3A_117 : vector<1x256xf32> to vector<128x256xf32>
      %add3A_201 = arith.addf %add3A_199, %add3A_200 : vector<128x256xf32>
      %exp3A_202 = math.exp %add3A_201 : vector<128x256xf32>
      %mul3A_203 = arith.mulf %select_n3A_187, %exp3A_202 : vector<128x256xf32>
      %convert_element_type3A_204 = arith.truncf %mul3A_203 : vector<128x256xf32> to vector<128x256xbf16>
      %convert_element_type3A_205 = arith.extf %convert_element_type3A_204 : vector<128x256xbf16> to vector<128x256xf32>
      %mul3A_206 = vector.broadcast %convert_element_type3A_144 : vector<128x1xf32> to vector<128x256xf32>
      %mul3A_207 = arith.mulf %convert_element_type3A_205, %mul3A_206 : vector<128x256xf32>
      %reduce_sum3A = arith.constant dense<0.000000e+00> : vector<256xf32>
      %reduce_sum3A_208 = vector.multi_reduction <add>, %mul3A_207, %reduce_sum3A [0] : vector<128x256xf32> to vector<256xf32>
      %broadcast_in_dim3A_209 = vector.shape_cast %reduce_sum3A_208 : vector<256xf32> to vector<1x256xf32>
      %add3A_210 = arith.addf %while3A_118, %broadcast_in_dim3A_209 : vector<1x256xf32>
      %mul3A_211 = vector.broadcast %convert_element_type3A_147 : vector<128x1xf32> to vector<128x256xf32>
      %mul3A_212 = arith.mulf %convert_element_type3A_205, %mul3A_211 : vector<128x256xf32>
      %reduce_sum3A_213 = arith.constant dense<0.000000e+00> : vector<256xf32>
      %reduce_sum3A_214 = vector.multi_reduction <add>, %mul3A_212, %reduce_sum3A_213 [0] : vector<128x256xf32> to vector<256xf32>
      %broadcast_in_dim3A_215 = vector.shape_cast %reduce_sum3A_214 : vector<256xf32> to vector<1x256xf32>
      %add3A_216 = arith.addf %while3A_119, %broadcast_in_dim3A_215 : vector<1x256xf32>
      %mul3A_217 = vector.broadcast %convert_element_type3A_150 : vector<128x1xf32> to vector<128x256xf32>
      %mul3A_218 = arith.mulf %convert_element_type3A_205, %mul3A_217 : vector<128x256xf32>
      %reduce_sum3A_219 = arith.constant dense<0.000000e+00> : vector<256xf32>
      %reduce_sum3A_220 = vector.multi_reduction <add>, %mul3A_218, %reduce_sum3A_219 [0] : vector<128x256xf32> to vector<256xf32>
      %broadcast_in_dim3A_221 = vector.shape_cast %reduce_sum3A_220 : vector<256xf32> to vector<1x256xf32>
      %add3A_222 = arith.addf %while3A_120, %broadcast_in_dim3A_221 : vector<1x256xf32>
      %slice3A_223 = vector.extract_strided_slice %add3A_199 {offsets = [127, 0], sizes = [1, 256], strides = [1, 1]} : vector<128x256xf32> to vector<1x256xf32>
      %add3A_224 = arith.addf %while3A_117, %slice3A_223 : vector<1x256xf32>
      %slice3A_225 = vector.extract_strided_slice %log3A {offsets = [127, 0], sizes = [1, 256], strides = [1, 1]} : vector<128x256xf32> to vector<1x256xf32>
      %add3A_226 = arith.addf %add3A_224, %slice3A_225 : vector<1x256xf32>
      scf.yield %add3A_226, %add3A_210, %add3A_216, %add3A_222 : vector<1x256xf32>, vector<1x256xf32>, vector<1x256xf32>, vector<1x256xf32>
    }
    %while3A_106 = arith.constant 1 : i32
    %while3A_107:4 = scf.for %while3A_116 = %while3A_103 to %while3A_99 step %while3A_106 iter_args(%while3A_117 = %while3A_105#0, %while3A_118 = %while3A_105#1, %while3A_119 = %while3A_105#2, %while3A_120 = %while3A_105#3) -> (vector<1x256xf32>, vector<1x256xf32>, vector<1x256xf32>, vector<1x256xf32>)  : i32 {
      %get3A_121 = arith.index_cast %arg0 : i32 to index
      %get3A_122 = arith.constant 0 : index
      %get3A_123 = vector.load %arg3[%get3A_121, %get3A_122] : memref<64x1024xi32, #tpu.memory_space<vmem>>, vector<1x1024xi32>
      %mul3A_124 = arith.constant 128 : i32
      %mul3A_125 = arith.muli %while3A_116, %mul3A_124 : i32
      %sub3A_126 = vector.broadcast %mul3A_125 : i32 to vector<1x1024xi32>
      %sub3A_127 = arith.subi %get3A_123, %sub3A_126 : vector<1x1024xi32>
      %eq3A_128 = vector.broadcast %iota3A_95 : vector<128x1xi32> to vector<128x1024xi32>
      %eq3A_129 = vector.broadcast %sub3A_127 : vector<1x1024xi32> to vector<128x1024xi32>
      %eq3A_130 = arith.cmpi eq, %eq3A_128, %eq3A_129 : vector<128x1024xi32>
      %convert_element_type3A_131 = arith.extui %eq3A_130 : vector<128x1024xi1> to vector<128x1024xi32>
      %convert_element_type3A_132 = arith.sitofp %convert_element_type3A_131 : vector<128x1024xi32> to vector<128x1024xf32>
      %get3A_133 = arith.constant 0 : index
      %get3A_134 = arith.constant 0 : index
      %get3A_135 = vector.load %arg2[%get3A_133, %get3A_134] : memref<1024x16xf32, #tpu.memory_space<vmem>>, vector<1024x16xf32>
      %dot_general3A = arith.constant dense<0.000000e+00> : vector<128x16xf32>
      %dot_general3A_136 = tpu.matmul %convert_element_type3A_132, %get3A_135, %dot_general3A {dimension_numbers = #tpu.dot_dimension_numbers<[1], [0], [0], [1], [0, 0, 1, 1], [], []>, precision = #tpu.contract_precision<fp32>, transpose_lhs_hint = false} : vector<128x1024xf32>, vector<1024x16xf32>, vector<128x16xf32> -> vector<128x16xf32>
      %slice3A = vector.extract_strided_slice %dot_general3A_136 {offsets = [0, 1], sizes = [128, 1], strides = [1, 1]} : vector<128x16xf32> to vector<128x1xf32>
      %slice3A_137 = vector.extract_strided_slice %dot_general3A_136 {offsets = [0, 2], sizes = [128, 1], strides = [1, 1]} : vector<128x16xf32> to vector<128x1xf32>
      %slice3A_138 = vector.extract_strided_slice %dot_general3A_136 {offsets = [0, 3], sizes = [128, 1], strides = [1, 1]} : vector<128x16xf32> to vector<128x1xf32>
      %slice3A_139 = vector.extract_strided_slice %dot_general3A_136 {offsets = [0, 4], sizes = [128, 1], strides = [1, 1]} : vector<128x16xf32> to vector<128x1xf32>
      %slice3A_140 = vector.extract_strided_slice %dot_general3A_136 {offsets = [0, 5], sizes = [128, 1], strides = [1, 1]} : vector<128x16xf32> to vector<128x1xf32>
      %slice3A_141 = vector.extract_strided_slice %dot_general3A_136 {offsets = [0, 6], sizes = [128, 1], strides = [1, 1]} : vector<128x16xf32> to vector<128x1xf32>
      %slice3A_142 = vector.extract_strided_slice %dot_general3A_136 {offsets = [0, 7], sizes = [128, 1], strides = [1, 1]} : vector<128x16xf32> to vector<128x1xf32>
      %convert_element_type3A_143 = arith.truncf %slice3A_142 : vector<128x1xf32> to vector<128x1xbf16>
      %convert_element_type3A_144 = arith.extf %convert_element_type3A_143 : vector<128x1xbf16> to vector<128x1xf32>
      %slice3A_145 = vector.extract_strided_slice %dot_general3A_136 {offsets = [0, 8], sizes = [128, 1], strides = [1, 1]} : vector<128x16xf32> to vector<128x1xf32>
      %convert_element_type3A_146 = arith.truncf %slice3A_145 : vector<128x1xf32> to vector<128x1xbf16>
      %convert_element_type3A_147 = arith.extf %convert_element_type3A_146 : vector<128x1xbf16> to vector<128x1xf32>
      %slice3A_148 = vector.extract_strided_slice %dot_general3A_136 {offsets = [0, 9], sizes = [128, 1], strides = [1, 1]} : vector<128x16xf32> to vector<128x1xf32>
      %convert_element_type3A_149 = arith.truncf %slice3A_148 : vector<128x1xf32> to vector<128x1xbf16>
      %convert_element_type3A_150 = arith.extf %convert_element_type3A_149 : vector<128x1xbf16> to vector<128x1xf32>
      %sub3A_151 = vector.broadcast %slice3A : vector<128x1xf32> to vector<128x256xf32>
      %sub3A_152 = vector.broadcast %convert_element_type3A : vector<1x256xf32> to vector<128x256xf32>
      %sub3A_153 = arith.subf %sub3A_151, %sub3A_152 : vector<128x256xf32>
      %sub3A_154 = vector.broadcast %slice3A_137 : vector<128x1xf32> to vector<128x256xf32>
      %sub3A_155 = vector.broadcast %convert_element_type3A_89 : vector<1x256xf32> to vector<128x256xf32>
      %sub3A_156 = arith.subf %sub3A_154, %sub3A_155 : vector<128x256xf32>
      %mul3A_157 = vector.broadcast %slice3A_138 : vector<128x1xf32> to vector<128x256xf32>
      %mul3A_158 = arith.mulf %mul3A_157, %sub3A_153 : vector<128x256xf32>
      %mul3A_159 = arith.mulf %mul3A_158, %sub3A_153 : vector<128x256xf32>
      %mul3A_160 = vector.broadcast %slice3A_140 : vector<128x1xf32> to vector<128x256xf32>
      %mul3A_161 = arith.mulf %mul3A_160, %sub3A_156 : vector<128x256xf32>
      %mul3A_162 = arith.mulf %mul3A_161, %sub3A_156 : vector<128x256xf32>
      %add3A_163 = arith.addf %mul3A_159, %mul3A_162 : vector<128x256xf32>
      %mul3A_164 = arith.constant -5.000000e-01 : f32
      %mul3A_165 = vector.broadcast %mul3A_164 : f32 to vector<128x256xf32>
      %mul3A_166 = arith.mulf %mul3A_165, %add3A_163 : vector<128x256xf32>
      %mul3A_167 = vector.broadcast %slice3A_139 : vector<128x1xf32> to vector<128x256xf32>
      %mul3A_168 = arith.mulf %mul3A_167, %sub3A_153 : vector<128x256xf32>
      %mul3A_169 = arith.mulf %mul3A_168, %sub3A_156 : vector<128x256xf32>
      %sub3A_170 = arith.subf %mul3A_166, %mul3A_169 : vector<128x256xf32>
      %min3A = arith.constant 0.000000e+00 : f32
      %min3A_171 = vector.broadcast %min3A : f32 to vector<128x256xf32>
      %min3A_172 = arith.minimumf %sub3A_170, %min3A_171 : vector<128x256xf32>
      %exp3A = math.exp %min3A_172 : vector<128x256xf32>
      %mul3A_173 = vector.broadcast %slice3A_141 : vector<128x1xf32> to vector<128x256xf32>
      %mul3A_174 = arith.mulf %mul3A_173, %exp3A : vector<128x256xf32>
      %le3A = arith.constant 0.000000e+00 : f32
      %le3A_175 = vector.broadcast %le3A : f32 to vector<128x256xf32>
      %le3A_176 = arith.cmpf ole, %sub3A_170, %le3A_175 : vector<128x256xf32>
      %min3A_177 = arith.constant 9.900000e-01 : f32
      %min3A_178 = vector.broadcast %min3A_177 : f32 to vector<128x256xf32>
      %min3A_179 = arith.minimumf %mul3A_174, %min3A_178 : vector<128x256xf32>
      %jit3A_180 = arith.constant 0.000000e+00 : f32
      %broadcast_in_dim3A_181 = vector.broadcast %jit3A_180 : f32 to vector<128x256xf32>
      %select_n3A_182 = arith.select %le3A_176, %min3A_179, %broadcast_in_dim3A_181 : vector<128x256xi1>, vector<128x256xf32>
      %ge3A = arith.constant 0.00392156886 : f32
      %ge3A_183 = vector.broadcast %ge3A : f32 to vector<128x256xf32>
      %ge3A_184 = arith.cmpf oge, %select_n3A_182, %ge3A_183 : vector<128x256xf32>
      %jit3A_185 = arith.constant 0.000000e+00 : f32
      %broadcast_in_dim3A_186 = vector.broadcast %jit3A_185 : f32 to vector<128x256xf32>
      %select_n3A_187 = arith.select %ge3A_184, %select_n3A_182, %broadcast_in_dim3A_186 : vector<128x256xi1>, vector<128x256xf32>
      %sub3A_188 = arith.constant 1.000000e+00 : f32
      %sub3A_189 = vector.broadcast %sub3A_188 : f32 to vector<128x256xf32>
      %sub3A_190 = arith.subf %sub3A_189, %select_n3A_187 : vector<128x256xf32>
      %log3A = math.log %sub3A_190 : vector<128x256xf32>
      %convert_element_type3A_191 = arith.truncf %log3A : vector<128x256xf32> to vector<128x256xbf16>
      %convert_element_type3A_192 = arith.extf %convert_element_type3A_191 : vector<128x256xbf16> to vector<128x256xf32>
      %sub3A_193 = arith.subf %log3A, %convert_element_type3A_192 : vector<128x256xf32>
      %convert_element_type3A_194 = arith.truncf %sub3A_193 : vector<128x256xf32> to vector<128x256xbf16>
      %dot_general3A_195 = arith.constant dense<0.000000e+00> : vector<128x256xf32>
      %dot_general3A_196 = tpu.matmul %convert_element_type3A_94, %convert_element_type3A_191, %dot_general3A_195 {dimension_numbers = #tpu.dot_dimension_numbers<[1], [0], [0], [1], [0, 0, 1, 1], [], []>, transpose_lhs_hint = false} : vector<128x128xbf16>, vector<128x256xbf16>, vector<128x256xf32> -> vector<128x256xf32>
      %dot_general3A_197 = arith.constant dense<0.000000e+00> : vector<128x256xf32>
      %dot_general3A_198 = tpu.matmul %convert_element_type3A_94, %convert_element_type3A_194, %dot_general3A_197 {dimension_numbers = #tpu.dot_dimension_numbers<[1], [0], [0], [1], [0, 0, 1, 1], [], []>, transpose_lhs_hint = false} : vector<128x128xbf16>, vector<128x256xbf16>, vector<128x256xf32> -> vector<128x256xf32>
      %add3A_199 = arith.addf %dot_general3A_196, %dot_general3A_198 : vector<128x256xf32>
      %add3A_200 = vector.broadcast %while3A_117 : vector<1x256xf32> to vector<128x256xf32>
      %add3A_201 = arith.addf %add3A_199, %add3A_200 : vector<128x256xf32>
      %exp3A_202 = math.exp %add3A_201 : vector<128x256xf32>
      %mul3A_203 = arith.mulf %select_n3A_187, %exp3A_202 : vector<128x256xf32>
      %convert_element_type3A_204 = arith.truncf %mul3A_203 : vector<128x256xf32> to vector<128x256xbf16>
      %convert_element_type3A_205 = arith.extf %convert_element_type3A_204 : vector<128x256xbf16> to vector<128x256xf32>
      %mul3A_206 = vector.broadcast %convert_element_type3A_144 : vector<128x1xf32> to vector<128x256xf32>
      %mul3A_207 = arith.mulf %convert_element_type3A_205, %mul3A_206 : vector<128x256xf32>
      %reduce_sum3A = arith.constant dense<0.000000e+00> : vector<256xf32>
      %reduce_sum3A_208 = vector.multi_reduction <add>, %mul3A_207, %reduce_sum3A [0] : vector<128x256xf32> to vector<256xf32>
      %broadcast_in_dim3A_209 = vector.shape_cast %reduce_sum3A_208 : vector<256xf32> to vector<1x256xf32>
      %add3A_210 = arith.addf %while3A_118, %broadcast_in_dim3A_209 : vector<1x256xf32>
      %mul3A_211 = vector.broadcast %convert_element_type3A_147 : vector<128x1xf32> to vector<128x256xf32>
      %mul3A_212 = arith.mulf %convert_element_type3A_205, %mul3A_211 : vector<128x256xf32>
      %reduce_sum3A_213 = arith.constant dense<0.000000e+00> : vector<256xf32>
      %reduce_sum3A_214 = vector.multi_reduction <add>, %mul3A_212, %reduce_sum3A_213 [0] : vector<128x256xf32> to vector<256xf32>
      %broadcast_in_dim3A_215 = vector.shape_cast %reduce_sum3A_214 : vector<256xf32> to vector<1x256xf32>
      %add3A_216 = arith.addf %while3A_119, %broadcast_in_dim3A_215 : vector<1x256xf32>
      %mul3A_217 = vector.broadcast %convert_element_type3A_150 : vector<128x1xf32> to vector<128x256xf32>
      %mul3A_218 = arith.mulf %convert_element_type3A_205, %mul3A_217 : vector<128x256xf32>
      %reduce_sum3A_219 = arith.constant dense<0.000000e+00> : vector<256xf32>
      %reduce_sum3A_220 = vector.multi_reduction <add>, %mul3A_218, %reduce_sum3A_219 [0] : vector<128x256xf32> to vector<256xf32>
      %broadcast_in_dim3A_221 = vector.shape_cast %reduce_sum3A_220 : vector<256xf32> to vector<1x256xf32>
      %add3A_222 = arith.addf %while3A_120, %broadcast_in_dim3A_221 : vector<1x256xf32>
      %slice3A_223 = vector.extract_strided_slice %add3A_199 {offsets = [127, 0], sizes = [1, 256], strides = [1, 1]} : vector<128x256xf32> to vector<1x256xf32>
      %add3A_224 = arith.addf %while3A_117, %slice3A_223 : vector<1x256xf32>
      %slice3A_225 = vector.extract_strided_slice %log3A {offsets = [127, 0], sizes = [1, 256], strides = [1, 1]} : vector<128x256xf32> to vector<1x256xf32>
      %add3A_226 = arith.addf %add3A_224, %slice3A_225 : vector<1x256xf32>
      scf.yield %add3A_226, %add3A_210, %add3A_216, %add3A_222 : vector<1x256xf32>, vector<1x256xf32>, vector<1x256xf32>, vector<1x256xf32>
    }
    %swap3A = arith.constant 0 : index
    %swap3A_108 = arith.constant 0 : index
    %swap3A_109 = vector.load %arg4[%swap3A, %swap3A_108] : memref<3x256xf32, #tpu.memory_space<vmem>>, vector<1x256xf32>
    tpu.vector_store %arg4[%swap3A, %swap3A_108], %while3A_107#1 {strides = array<i32>} : memref<3x256xf32, #tpu.memory_space<vmem>>, vector<1x256xf32>,
    %swap3A_110 = arith.constant 1 : index
    %swap3A_111 = arith.constant 0 : index
    %swap3A_112 = vector.load %arg4[%swap3A_110, %swap3A_111] : memref<3x256xf32, #tpu.memory_space<vmem>>, vector<1x256xf32>
    tpu.vector_store %arg4[%swap3A_110, %swap3A_111], %while3A_107#2 {strides = array<i32>} : memref<3x256xf32, #tpu.memory_space<vmem>>, vector<1x256xf32>,
    %swap3A_113 = arith.constant 2 : index
    %swap3A_114 = arith.constant 0 : index
    %swap3A_115 = vector.load %arg4[%swap3A_113, %swap3A_114] : memref<3x256xf32, #tpu.memory_space<vmem>>, vector<1x256xf32>
    tpu.vector_store %arg4[%swap3A_113, %swap3A_114], %while3A_107#3 {strides = array<i32>} : memref<3x256xf32, #tpu.memory_space<vmem>>, vector<1x256xf32>,
    return
  }
  func.func @transform_0(%arg0: i32, %arg1: memref<64xi32, #tpu.memory_space<smem>>) -> (i32, i32) {
    %c0_i32 = arith.constant 0 : i32
    %c0_i32_0 = arith.constant 0 : i32
    %c0_i32_1 = arith.constant 0 : i32
    return %c0_i32, %c0_i32_0 : i32, i32
  }
  func.func @transform_1(%arg0: i32, %arg1: memref<64xi32, #tpu.memory_space<smem>>) -> (i32, i32) {
    %c0_i32 = arith.constant 0 : i32
    %c0_i32_0 = arith.constant 0 : i32
    %c0_i32_1 = arith.constant 0 : i32
    return %c0_i32, %c0_i32_0 : i32, i32
  }
  func.func @transform_2(%arg0: i32, %arg1: memref<64xi32, #tpu.memory_space<smem>>) -> (i32, i32) {
    %c0_i32 = arith.constant 0 : i32
    %c0_i32_0 = arith.constant 0 : i32
    return %c0_i32, %arg0 : i32, i32
  }
}

module attributes {stable_mosaic.version = 14 : i64} {
  func.func @_binprep_kernel(%arg0: memref<64x1024xi32, #tpu.memory_space<vmem>>, %arg1: memref<64x1024xi32, #tpu.memory_space<vmem>>, %arg2: memref<64x1xi32, #tpu.memory_space<vmem>>) attributes {dimension_semantics = [], scalar_prefetch = 0 : i64, scratch_operands = 0 : i64, tpu.core_type = #tpu.core_type<tc>} {
    %get3A = arith.constant 0 : index
    %get3A_0 = arith.constant 0 : index
    %get3A_1 = vector.load %arg0[%get3A, %get3A_0] : memref<64x1024xi32, #tpu.memory_space<vmem>>, vector<64x1024xi32>
    %convert_element_type3A = arith.sitofp %get3A_1 : vector<64x1024xi32> to vector<64x1024xf32>
    %iota3A = tpu.iota {dimensions = array<i32: 0>} : vector<1024x1024xi32>
    %iota3A_2 = tpu.iota {dimensions = array<i32: 1>} : vector<1024x1024xi32>
    %lt3A = arith.cmpi slt, %iota3A, %iota3A_2 : vector<1024x1024xi32>
    %convert_element_type3A_3 = arith.extui %lt3A : vector<1024x1024xi1> to vector<1024x1024xi32>
    %convert_element_type3A_4 = arith.sitofp %convert_element_type3A_3 : vector<1024x1024xi32> to vector<1024x1024xf32>
    %dot_general3A = arith.constant dense<0.000000e+00> : vector<64x1024xf32>
    %dot_general3A_5 = tpu.matmul %convert_element_type3A, %convert_element_type3A_4, %dot_general3A {dimension_numbers = #tpu.dot_dimension_numbers<[1], [0], [0], [1], [0, 0, 1, 1], [], []>, transpose_lhs_hint = false} : vector<64x1024xf32>, vector<1024x1024xf32>, vector<64x1024xf32> -> vector<64x1024xf32>
    %slice3A = vector.extract_strided_slice %dot_general3A_5 {offsets = [0, 1023], sizes = [64, 1], strides = [1, 1]} : vector<64x1024xf32> to vector<64x1xf32>
    %slice3A_6 = vector.extract_strided_slice %convert_element_type3A {offsets = [0, 1023], sizes = [64, 1], strides = [1, 1]} : vector<64x1024xf32> to vector<64x1xf32>
    %add3A = arith.addf %slice3A, %slice3A_6 : vector<64x1xf32>
    %convert_element_type3A_7 = arith.fptosi %add3A : vector<64x1xf32> to vector<64x1xi32>
    %add3A_8 = arith.constant 127 : i32
    %add3A_9 = vector.broadcast %add3A_8 : i32 to vector<64x1xi32>
    %add3A_10 = arith.addi %convert_element_type3A_7, %add3A_9 : vector<64x1xi32>
    %jit3A = arith.constant 128 : i32
    %div3A = vector.broadcast %jit3A : i32 to vector<64x1xi32>
    %div3A_11 = arith.divsi %add3A_10, %div3A : vector<64x1xi32>
    %sign3A = arith.constant 0 : i32
    %sign3A_12 = vector.broadcast %sign3A : i32 to vector<64x1xi32>
    %sign3A_13 = arith.cmpi sgt, %add3A_10, %sign3A_12 : vector<64x1xi32>
    %sign3A_14 = arith.extui %sign3A_13 : vector<64x1xi1> to vector<64x1xi32>
    %sign3A_15 = arith.constant 0 : i32
    %sign3A_16 = vector.broadcast %sign3A_15 : i32 to vector<64x1xi32>
    %sign3A_17 = arith.cmpi slt, %add3A_10, %sign3A_16 : vector<64x1xi32>
    %sign3A_18 = arith.extui %sign3A_17 : vector<64x1xi1> to vector<64x1xi32>
    %sign3A_19 = arith.subi %sign3A_14, %sign3A_18 : vector<64x1xi32>
    %sign3A_20 = arith.constant 0 : i32
    %sign3A_21 = arith.cmpi sgt, %jit3A, %sign3A_20 : i32
    %sign3A_22 = arith.extui %sign3A_21 : i1 to i32
    %sign3A_23 = arith.constant 0 : i32
    %sign3A_24 = arith.cmpi slt, %jit3A, %sign3A_23 : i32
    %sign3A_25 = arith.extui %sign3A_24 : i1 to i32
    %sign3A_26 = arith.subi %sign3A_22, %sign3A_25 : i32
    %ne3A = vector.broadcast %sign3A_26 : i32 to vector<64x1xi32>
    %ne3A_27 = arith.cmpi ne, %sign3A_19, %ne3A : vector<64x1xi32>
    %rem3A = vector.broadcast %jit3A : i32 to vector<64x1xi32>
    %rem3A_28 = arith.remsi %add3A_10, %rem3A : vector<64x1xi32>
    %ne3A_29 = arith.constant 0 : i32
    %ne3A_30 = vector.broadcast %ne3A_29 : i32 to vector<64x1xi32>
    %ne3A_31 = arith.cmpi ne, %rem3A_28, %ne3A_30 : vector<64x1xi32>
    %and3A = arith.andi %ne3A_27, %ne3A_31 : vector<64x1xi1>
    %sub3A = arith.constant 1 : i32
    %sub3A_32 = vector.broadcast %sub3A : i32 to vector<64x1xi32>
    %sub3A_33 = arith.subi %div3A_11, %sub3A_32 : vector<64x1xi32>
    %select_n3A = arith.select %and3A, %sub3A_33, %div3A_11 : vector<64x1xi1>, vector<64x1xi32>
    %swap3A = arith.constant 0 : index
    %swap3A_34 = arith.constant 0 : index
    %swap3A_35 = vector.load %arg2[%swap3A, %swap3A_34] : memref<64x1xi32, #tpu.memory_space<vmem>>, vector<64x1xi32>
    tpu.vector_store %arg2[%swap3A, %swap3A_34], %select_n3A {strides = array<i32>} : memref<64x1xi32, #tpu.memory_space<vmem>>, vector<64x1xi32>,
    %get3A_36 = arith.constant 0 : index
    %get3A_37 = arith.constant 0 : index
    %get3A_38 = vector.load %arg0[%get3A_36, %get3A_37] : memref<64x1024xi32, #tpu.memory_space<vmem>>, vector<64x1024xi32>
    %gt3A = arith.constant 0 : i32
    %gt3A_39 = vector.broadcast %gt3A : i32 to vector<64x1024xi32>
    %gt3A_40 = arith.cmpi sgt, %get3A_38, %gt3A_39 : vector<64x1024xi32>
    %convert_element_type3A_41 = arith.fptosi %dot_general3A_5 : vector<64x1024xf32> to vector<64x1024xi32>
    %jit3A_42 = arith.constant -1 : i32
    %broadcast_in_dim3A = vector.broadcast %jit3A_42 : i32 to vector<64x1024xi32>
    %select_n3A_43 = arith.select %gt3A_40, %convert_element_type3A_41, %broadcast_in_dim3A : vector<64x1024xi1>, vector<64x1024xi32>
    %swap3A_44 = arith.constant 0 : index
    %swap3A_45 = arith.constant 0 : index
    %swap3A_46 = vector.load %arg1[%swap3A_44, %swap3A_45] : memref<64x1024xi32, #tpu.memory_space<vmem>>, vector<64x1024xi32>
    tpu.vector_store %arg1[%swap3A_44, %swap3A_45], %select_n3A_43 {strides = array<i32>} : memref<64x1024xi32, #tpu.memory_space<vmem>>, vector<64x1024xi32>,
    return
  }
}

</mosaic_0001>

<sc_bundles>
// kernel: kernel.7.cloned.1.call-start
scs
__scs_entry_jumppad:
0x0: {  	(pc) =	sbr.rel $0x88, $3  }
0x1: {  	(tag) =	ssettag $0x0;
	lr =	simm.s32 $0x1  }
0x2: {  	[smem:$0x3F9C] =	sst lr;
	_ =	strace $0xD0000000  }
0x3: {  	_ = 	snop  }
0x4: {  	_ = 	snop  }
0x5: {  	_ = 	snop  }
0x6: {  	_ = 	snop  }
0x7: {  	_ = 	snop  }
__scs_overlays_trampoline_lowered:
0x8: {  	[smem:$0x3FAB] =	sst s0  }
0x9: {  	[smem:$0x3FAC] =	sst s1  }
0xa: {  	[smem:$0x3FAD] =	sst s2  }
0xb: {  	[smem:$0x3FAE] =	sst s3  }
0xc: {  	[smem:$0x3FAF] =	sst s4  }
0xd: {  	[smem:$0x3FB0] =	sst s5  }
0xe: {  	[smem:$0x3FB1] =	sst s6  }
0xf: {  	[smem:$0x3FB2] =	sst s7  }
0x10: {  	[smem:$0x3FB3] =	sst s8  }
0x11: {  	[smem:$0x3FB4] =	sst s9;
	s0 =	simm.s32 @!p0 $0x0  }
0x12: {  	s1 =	sld [smem:$0x3F9A];
	s0 =	simm.s32 @p0 $0x1  }
0x13: {  	[smem:$0x3FB5] =	sst s0;
	s0 =	simm.s32 @!p1 $0x0  }
0x14: {  	s2 =	sld [smem:$0x3F99];
	s0 =	simm.s32 @p1 $0x1  }
0x15: {  	[smem:$0x3FB6] =	sst s0;
	s0 =	simm.s32 @!p2 $0x0  }
0x16: {  	s3 =	sld [smem:$0x3FDB];
	s0 =	simm.s32 @p2 $0x1  }
0x17: {  	s4 =	simm.s32 $0x1BF5;
	[smem:$0x3FB8] =	sst s0  }
0x18: {  	s0 =	sld [smem:$0x3F9B];
	_ =	swait.ge [sflag:s4], $0x0  }
0x19: {  	s7 =	sld [smem:$0x3F9C]  }
0x1a: {  	s8 =	sadd.s32 $0xFFFFE003, lr  }
0x1b: {  	s9 =	sadd.s32 $0xFFFFFEF7, lr;
	s5 =	simm.s32 $0xFFFFFFFF;
	p2 =	slt.u32 s8, $0xFFFFF086  }
0x1c: {  	p1 =	slt.u32 s9, $0xF7A;
	s5 =	simm.s32 @!p2 $0x0  }
0x1d: {  	s5 =	simm.s32 @p1 $0x1;
	p0 =	seq.s32 s7, s2  }
0x1e: {  	s7 =	smul.u32 @!p0 $0xF7A, s2;
	p2 =	seq.s32 @!p0 s5, $0x0  }
0x1f: {  	s9 =	smul.u32 $0xF7A, s1;
	s8 =	simm.s32 @!p0 $0x1BF5;
	p2 =	por !p2, p0  }
0x20: {  	[sflag:s8] =	ssyncset.s32 @!p0 $0xFFFFF086;
	s6 =	sadd.s32 @!p0 s3, s7;
	s7 =	simm.s32 @!p0 $0x108  }
0x21: {  	s3 =	sadd.s32 s3, s9;
	s6 =	sadd.s32 @!p0 $0x88, s6;
	s7 =	simm.s32 @p2 $0x1082  }
0x22: {  	[simem:s7], [sflag:s8] =	dma.local @!p0 [hbm:s6], $0xF7A  }
0x23: {  	s9 =	sor.u32 $0xD0000000, s2;
	s6 =	simm.s32 $0x108;
	_ =	swait.ge @!p0 [sflag:s8], $0x0  }
0x24: {  	s3 =	sadd.s32 $0x88, s3;
	s6 =	simm.s32 @!p1 $0x1082;
	[sflag:s4] =	ssyncset.s32 $0xFFFFF086  }
0x25: {  	[simem:s6], [sflag:s4] =	dma.local [hbm:s3], $0xF7A  }
0x26: {  	[smem:$0x3F9C] =	sst s1;
	(tag) =	ssettag s2;
	_ =	strace s9  }
0x27: {  	s1 =	sld [smem:$0x3FAC]  }
0x28: {  	s2 =	sld [smem:$0x3FAD]  }
0x29: {  	s4 =	sld [smem:$0x3FAF]  }
0x2a: {  	p0 =	seq.s32 s5, $0x0;
	s5 =	sld [smem:$0x3FB0]  }
0x2b: {  	s6 =	sld [smem:$0x3FB1]  }
0x2c: {  	s7 =	sld [smem:$0x3FB2]  }
0x2d: {  	s3 =	simm.s32 $0x108;
	s8 =	sld [smem:$0x3FB3]  }
0x2e: {  	s3 =	simm.s32 @!p0 $0x1082;
	s9 =	sld [smem:$0x3FB4]  }
0x2f: {  	lr =	sadd.s32 s0, s3;
	s0 =	sld [smem:$0x3FAB]  }
0x30: {  	s3 =	sld [smem:$0x3FAE]  }
0x31: {  	[smem:$0x3FB7] =	sst s10  }
0x32: {  	s10 =	sld [smem:$0x3FB5];
	_ =	sdelay $0x3  }
0x33: {  	p0 =	seq.s32 s10, $0x1;
	s10 =	sld [smem:$0x3FB7];
	_ =	sdelay $0x3  }
0x34: {  	[smem:$0x3FB7] =	sst s10  }
0x35: {  	s10 =	sld [smem:$0x3FB6];
	_ =	sdelay $0x3  }
0x36: {  	p1 =	seq.s32 s10, $0x1;
	s10 =	sld [smem:$0x3FB7];
	_ =	sdelay $0x3  }
0x37: {  	[smem:$0x3FB7] =	sst s10  }
0x38: {  	s10 =	sld [smem:$0x3FB8]  }
0x39: {  	_ = 	snop;
	(pc) =	sbr.ind lr, $3  }
0x3a: {  	_ = 	snop  }
0x3b: {  	_ = 	snop  }
0x3c: {  	p2 =	seq.s32 s10, $0x1;
	s10 =	sld [smem:$0x3FB7]  }
0x3d: {  	_ =	shalt  }
0x3e: {  	_ =	shalt  }
0x3f: {  	_ =	shalt  }
0x40: {  	_ =	shalt  }
0x41: {  	_ =	shalt  }
0x42: {  	_ =	shalt  }
0x43: {  	_ =	shalt  }
0x44: {  	_ =	shalt  }
0x45: {  	_ =	shalt  }
0x46: {  	_ =	shalt  }
0x47: {  	_ =	shalt  }
0x48: {  	_ =	shalt  }
0x49: {  	_ =	shalt  }
0x4a: {  	_ =	shalt  }
0x4b: {  	_ =	shalt  }
0x4c: {  	_ =	shalt  }
0x4d: {  	_ =	shalt  }
0x4e: {  	_ =	shalt  }
0x4f: {  	_ =	shalt  }
0x50: {  	_ =	shalt  }
0x51: {  	_ =	shalt  }
0x52: {  	_ =	shalt  }
0x53: {  	_ =	shalt  }
0x54: {  	_ =	shalt  }
0x55: {  	_ =	shalt  }
0x56: {  	_ =	shalt  }
0x57: {  	_ =	shalt  }
0x58: {  	_ =	shalt  }
0x59: {  	_ =	shalt  }
0x5a: {  	_ =	shalt  }
0x5b: {  	_ =	shalt  }
0x5c: {  	_ =	shalt  }
0x5d: {  	_ =	shalt  }
0x5e: {  	_ =	shalt  }
0x5f: {  	_ =	shalt  }
0x60: {  	_ =	shalt  }
0x61: {  	_ =	shalt  }
0x62: {  	_ =	shalt  }
0x63: {  	_ =	shalt  }
0x64: {  	_ =	shalt  }
0x65: {  	_ =	shalt  }
0x66: {  	_ =	shalt  }
0x67: {  	_ =	shalt  }
0x68: {  	_ =	shalt  }
0x69: {  	_ =	shalt  }
0x6a: {  	_ =	shalt  }
0x6b: {  	_ =	shalt  }
0x6c: {  	_ =	shalt  }
0x6d: {  	_ =	shalt  }
0x6e: {  	_ =	shalt  }
0x6f: {  	_ =	shalt  }
0x70: {  	_ =	shalt  }
0x71: {  	_ =	shalt  }
0x72: {  	_ =	shalt  }
0x73: {  	_ =	shalt  }
0x74: {  	_ =	shalt  }
0x75: {  	_ =	shalt  }
0x76: {  	_ =	shalt  }
0x77: {  	_ =	shalt  }
0x78: {  	_ =	shalt  }
0x79: {  	_ =	shalt  }
0x7a: {  	_ =	shalt  }
0x7b: {  	_ =	shalt  }
0x7c: {  	_ =	shalt  }
0x7d: {  	_ =	shalt  }
0x7e: {  	_ =	shalt  }
0x7f: {  	_ =	shalt  }
0x80: {  	_ =	shalt  }
0x81: {  	_ =	shalt  }
0x82: {  	_ =	shalt  }
0x83: {  	_ =	shalt  }
0x84: {  	_ =	shalt  }
0x85: {  	_ =	shalt  }
0x86: {  	_ =	shalt  }
0x87: {  	_ =	shalt  }
.Lfunc_end0:
.L_simem_size_0:
called_computation_lowered:
.L_overlay_start_0:
0x88: {  	s2 =	sld [smem:$0x3FD9]  }
0x89: {  	s3 =	sld [smem:$0x3FFE];
	_ =	sdelay $0x1  }
0x8a: {  	s1 =	srdreg.scid  }
0x8b: {  	s0 =	sand.u32 $0x1, s1  }
0x8c: {  	s14 =	sshll.u32 s0, $0xA;
	s2 =	sadd.s32 s3, s2  }
0x8d: {  	s2 =	sadd.s32 s2, s14  }
0x8e: {  	[smem:$0x3FC3] =	sst s2  }
0x8f: {  	_ = 	snop  }
0x90: {  	s2 =	sld [smem:$0x3FD0];
	_ =	sdelay $0x2  }
0x91: {  	s15 =	simm.s32 $0xA;
	s4 =	simm.s32 $0x10  }
0x92: {  	[smem:s4], [sflag:s15] =	dma.local [hbm:s2], $0x1  }
0x93: {  	_ =	swait.eq [sflag:s15], $0x1  }
0x94: {  	[sflag:s15] =	ssyncset.done $0x0  }
0x95: {  	[sflag:s15] =	ssyncadd.s32 $0xFFFFFFFF  }
0x96: {  	s16 =	sld [smem:$0x10];
	(tm) =	ssettm $0x1  }
0x97: {  	s17 =	sld [smem:$0x3FFB];
	_ =	sdelay $0x3  }
0x98: {  	_ =	strace s17  }
0x99: {  	s3 =	sld [smem:$0x3FFC];
	_ =	sdelay $0x3  }
0x9a: {  	_ =	strace s3  }
0x9b: {  	s3 =	sld [smem:$0x3FFD];
	_ =	sdelay $0x3  }
0x9c: {  	_ =	strace s3  }
0x9d: {  	_ =	strace $0x8FFFFFFF  }
0x9e: {  	s18 =	sld [smem:$0x3FDB];
	_ =	sdelay $0x1  }
0x9f: {  	s19 =	simm.s32 $_scs_section_size  }
0xa0: {  	s5 =	simm.s32 $_size__tile_overlayer_lowered;
	s6 =	simm.s32 $_tile_overlayer_lowered  }
0xa1: {  	s22 =	simm.s32 $0x1BFF;
	s21 =	sshll.u32 s6, $0x1;
	s3 =	sadd.s32 s19, s18  }
0xa2: {  	s7 =	simm.s32 $0x0;
	s20 =	sshll.u32 s5, $0x1;
	s5 =	sadd.s32 s21, s3  }
0xa3: {  	[timem:s7], [sflag:s22] =	dma.local [hbm:s5], s20  }
0xa4: {  	_ =	swait.ge [sflag:s22], s20  }
0xa5: {  	s4 =	ssub.s32 $0x0, s20;
	[sflag:s22] =	ssyncset.done $0x0  }
0xa6: {  	[sflag:s22] =	ssyncadd.s32 s4;
	_ =	sdelay $0x1  }
0xa7: {  	s23 =	simm.s32 $0x1B8B  }
0xa8: {  	_ =	swait.ge [sflag:s23], $0x1  }
0xa9: {  	[sflag:s23] =	ssyncset.done $0x0  }
0xaa: {  	s25 =	simm.s32 $0x1B8E;
	s24 =	sld [smem:$0x3FFE];
	[sflag:s23] =	ssyncadd.s32 $0xFFFFFFFF  }
0xab: {  	s26 =	simm.s32 $execute0_lowered;
	[smem:$0x3FD2] =	sst s25  }
0xac: {  	s5 =	sshll.u32 s26, $0x1;
	_ =	strace $0x80000046;
	[dreg:$0x1] =	wrdreg $0xFFFFFFFF  }
0xad: {  	s28 =	simm.s32 $_size_execute0_lowered;
	s3 =	sadd.s32 s3, s5;
	[dreg:$0x0] =	wrdreg $0x0  }
0xae: {  	s5 =	sshll.u32 s28, $0x1;
	[dreg:$0x2] =	wrdreg s3  }
0xaf: {  	[dreg:$0x3] =	wrdreg s5  }
0xb0: {  	[dreg:$0x4] =	wrdreg $0xC0  }
0xb1: {  	_ =	task [dreg:s7], $0x5FFFF  }
0xb2: {  	[dreg:$0x1] =	wrdreg $0xFFFFFFFF  }
0xb3: {  	[dreg:$0x0] =	wrdreg $0x60  }
0xb4: {  	[dreg:$0x2] =	wrdreg s24  }
0xb5: {  	[dreg:$0x3] =	wrdreg s16  }
0xb6: {  	[dreg:$0x4] =	wrdreg $0x9  }
0xb7: {  	_ =	task.clear_ibuf [dreg:s7], $0x5FFFF;
	_ =	strace $0x90000046  }
0xb8: {  	s29 =	simm.s32 $0x9;
	_ =	strace $0x80000048  }
0xb9: {  	_ =	swait.ge [sflag:s29], $0x1  }
0xba: {  	[sflag:s29] =	ssyncadd.s32 $0xFFFFFFFF  }
0xbb: {  	_ =	strace $0x90000048  }
0xbc: {  	_ =	sfence  }
0xbd: {  	s30 =	sld [smem:$0x0];
	_ =	sdelay $0x2  }
0xbe: {  	s31 =	sshll.u32 s1, $0xD;
	s1 =	sshrl.u32 s1, $0x2  }
0xbf: {  	s3 =	sand.u32 $0x4000, s31;
	s1 =	sadd.s32 s1, s30  }
0xc0: {  	s0 =	sor.u32 s3, s0;
	s1 =	sshll.u32 s1, $0x11  }
0xc1: {  	s0 =	sor.u32 s1, s0  }
0xc2: {  	s0 =	sadd.s32 $0x8F2B, s0  }
0xc3: {  	[sflag:s0] =	ssyncadd.remote.s32 $0x1  }
0xc4: {  	_ =	sfence.sel $0xFFFF  }
0xc5: {  	[dreg:$0x0] =	wrdreg $0xFFFFFFFF;
	(pc) =	sbr.abs _section_cstart, $3  }
0xc6: {  	[dreg:$0x1] =	wrdreg $0xFFFFFFFF  }
0xc7: {  	_ =	task.clear_ibuf [dreg:s7], $0x2FFFF;
	_ =	strace $0x9FFFFFFF  }
0xc8: {  	(tm) =	ssettm $0x7FFFFFFF  }
0xc9: {  	_ =	shalt  }
tec
execute0_lowered:
.L_overlay_start_1:
0x0: {  	(tag) =	ssettag $0x1  }
0x1: {  	s7 =	rddreg [dreg:$0x0]  }
0x2: {  	s1 =	rddreg [dreg:$0x1]  }
0x3: {  	s0 =	rddreg [dreg:$0x2]  }
0x4: {  	s3 =	simm.s32 $0x0;
	s4 =	srdreg.scid;
	s2 =	stileid.u32  }
0x5: {  	s15 =	simm.s32 $0x1000;
	s16 =	simm.s32 $0x0;
	[smem:$0x7FF] =	sst s3  }
0x6: {  	s8 =	sand.u32 $0x1, s4;
	s4 =	sadd.s32 $0xC00, s7;
	s9 =	sshll.u32 s2, $0x2  }
0x7: {  	s5 =	sadd.s32 $0xA00, s7;
	s6 =	sadd.s32 $0x800, s7;
	s10 =	sshll.u32 s8, $0x1  }
0x8: {  	s24 =	sadd.s32 $0xE00, s7;
	s11 =	sshll.u32 s2, $0x3;
	s9 =	sor.u32 s10, s9  }
0x9: {  	s13 =	sshll.u32 s2, $0xC;
	_ =	strace $0x80000047;
	s12 =	sor.u32 $0x1, s9  }
0xa: {  	s11 =	sand.u32 $0x70, s11;
	s25 =	sshll.u32 s9, $0x4;
	s14 =	sshll.u32 s12, $0x4  }
0xb: {  	s8 =	ssub.s32 $0x2, s8;
	v1 =	vmov s11;
	s7 =	sand.u32 $0x60, s25;
	s28 =	sand.u32 $0x70, s14  }
0xc: {  	s30 =	sshrl.u32 s8, $0x1;
	s10 =	simm.s32 $0x1;
	s9 =	sshll.u32 s9, $0x7;
	v1 =	vcvt.s32.f32 v1;
	v0 =	vmov s7;
	v2 =	vmov s28  }
0xd: {  	s11 =	ssub.s32 s8, s30;
	s26 =	sor.u32 s13, s9;
	s12 =	sshll.u32 s12, $0x7;
	v0 =	vcvt.s32.f32 v0;
	v2 =	vcvt.s32.f32 v2  }
0xe: {  	s7 =	sand.u32 $0xE300, s26;
	s29 =	sor.u32 s13, s12;
	v1 =	vbroadcast v1, $0x0;
	s12 =	simm.s32 $0x800  }
0xf: {  	s13 =	simm.s32 $0xC00;
	s7 =	sshrl.u32 s7, $0x3;
	s9 =	sand.u32 $0xE380, s29;
	v0 =	vbroadcast v0, $0x0;
	v2 =	vbroadcast v2, $0x0  }
0x10: {  	s14 =	simm.s32 $0x80;
	s7 =	sadd.s32 s24, s7;
	s31 =	sshrl.u32 s9, $0x3;
	v4 =	vadd.f32 $1.500000000e+01, v1  }
0x11: {  	v6 =	vimm.s32 $0x0;
	s9 =	smax.u32 s11, $0x1;
	s11 =	simm.s32 $0x400;
	s8 =	sadd.s32 s24, s31;
	v3 =	vadd.f32 $1.500000000e+01, v0;
	v5 =	vadd.f32 $1.500000000e+01, v2  }
.LBB2_1:
0x12: {  	[tilespmem:s3], [sflag:$0x1] =	stream.linear.gather [hbm4b:s4+s3], $0x400, $0x38;
	[tilespmem:$0x1400] =	vst v63  }
0x13: {  	_ =	swait.ge [sflag:s10], $0x400  }
0x14: {  	[sflag:s10] =	ssyncset.done $0x0  }
0x15: {  	[sflag:s10] =	ssyncadd.s32 $0xFFFFFC00  }
0x16: {  	[tilespmem:s11], [sflag:$0x1] =	stream.linear.gather [hbm4b:s5+s3], $0x400, $0x38;
	[tilespmem:$0x1400] =	vst v63  }
0x17: {  	_ =	swait.ge [sflag:s10], $0x400  }
0x18: {  	[sflag:s10] =	ssyncset.done $0x0  }
0x19: {  	[sflag:s10] =	ssyncadd.s32 $0xFFFFFC00  }
0x1a: {  	[tilespmem:s12], [sflag:$0x1] =	stream.linear.gather [hbm4b:s6+s3], $0x400, $0x38;
	[tilespmem:$0x1400] =	vst v63  }
0x1b: {  	_ =	swait.ge [sflag:s10], $0x400  }
0x1c: {  	[sflag:s10] =	ssyncset.done $0x0  }
0x1d: {  	[sflag:s10] =	ssyncadd.s32 $0xFFFFFC00  }
0x1e: {  	[tilespmem:s13], [sflag:$0x1] =	stream.linear.gather [hbm4b:s1+s3], $0x400, $0x38;
	[tilespmem:$0x1400] =	vst v63  }
0x1f: {  	_ =	swait.ge [sflag:s10], $0x400  }
0x20: {  	[sflag:s10] =	ssyncset.done $0x0  }
0x21: {  	s17 =	simm.s32 $0x0;
	[sflag:s10] =	ssyncadd.s32 $0xFFFFFC00  }
0x22: {  	v10 =	vld [tilespmem:s17+$0x0]  }
0x23: {  	v11 =	vld [tilespmem:s17+$0x400]  }
0x24: {  	v12 =	vld [tilespmem:s17+$0x800]  }
0x25: {  	v13 =	vld [tilespmem:s17+$0xC00];
	_ =	sdelay $0x1  }
0x26: {  	s18 =	simm.s32 $0x10  }
0x27: {  	v8 =	vld [tilespmem:s18+$0x0]  }
0x28: {  	v7 =	vld [tilespmem:s18+$0x400]  }
0x29: {  	v9 =	vld [tilespmem:s18+$0x800];
	v14 =	vsub.f32 v10, v12;
	v15 =	vsub.f32 v11, v13  }
0x2a: {  	v12 =	vadd.f32 v12, v10;
	v10 =	vld [tilespmem:s18+$0xC00]  }
0x2b: {  	s19 =	simm.s32 $0x80;
	v11 =	vadd.f32 v13, v11;
	vm0 =	vle.f32 v14, v3;
	vm1 =	vle.f32 v15, v4  }
.LBB2_2:
0x2c: {  	s20 =	sshra.s32 s19, $0x2;
	vm2 =	vge.f32 v12, v0;
	vm0 =	vmand vm0, vm1;
	v12 =	vmov v8;
	p0 =	sne.s32 s19, $0xFC0  }
.Ltmp0:
0x2d: {  	v8 =	vld [tilespmem:s20+$0x0];
	vm0 =	vmand vm0, vm2;
	vm1 =	vge.f32 v11, v1;
	v11 =	vmov v7;
	(pc) =	sbr.rel @p0 .LBB2_2-.Ltmp0, $4  }
0x2e: {  	v7 =	vld [tilespmem:s20+$0x400];
	vm0 =	vmand vm1, vm0;
	v13 =	vmov v9  }
0x2f: {  	s19 =	sadd.s32 $0x40, s19;
	v9 =	vld [tilespmem:s20+$0x800];
	v14 =	vsub.f32 v12, v13;
	v15 =	vsub.f32 v11, v10;
	v16 =	vsel vm0, $0x1, v6;
	v17 =	vmovc v10  }
0x30: {  	v12 =	vadd.f32 v13, v12;
	v10 =	vld [tilespmem:s20+$0xC00];
	[tilespmem:s17+$0x1000] =	vst v16;
	s17 =	smov.u32 s18;
	s18 =	smov.u32 s20  }
0x31: {  	v11 =	vadd.f32 v17, v11;
	vm0 =	vle.f32 v14, v3;
	vm1 =	vle.f32 v15, v4  }
0x32: {  	_ =	sdelay $0x1  }
0x33: {  	vm2 =	vge.f32 v12, v0  }
0x34: {  	vm0 =	vmand vm0, vm1;
	v12 =	vsub.f32 v8, v9;
	v13 =	vsub.f32 v7, v10  }
0x35: {  	vm0 =	vmand vm0, vm2;
	v8 =	vadd.f32 v9, v8  }
0x36: {  	v7 =	vadd.f32 v10, v7;
	vm1 =	vle.f32 v12, v3;
	vm2 =	vle.f32 v13, v4  }
0x37: {  	vm3 =	vge.f32 v11, v1;
	vm1 =	vmand vm1, vm2;
	vm2 =	vge.f32 v8, v0  }
0x38: {  	vm0 =	vmand vm3, vm0;
	vm1 =	vmand vm1, vm2;
	vm2 =	vge.f32 v7, v1  }
0x39: {  	v7 =	vsel vm0, $0x1, v6;
	vm0 =	vmand vm2, vm1  }
0x3a: {  	[tilespmem:s17+$0x1000] =	vst v7;
	v7 =	vsel vm0, $0x1, v6  }
0x3b: {  	[tilespmem:s18+$0x1000] =	vst v7  }
0x3c: {  	[hbm4b:s7+s14] =	stream.strided.scatter [tilespmem:s15], [sflag:$0x1], $0x400, s11, s14, $0x38;
	[tilespmem:$0x1400] =	vst v63  }
0x3d: {  	_ =	swait.ge [sflag:s10], $0x400  }
0x3e: {  	[sflag:s10] =	ssyncset.done $0x0  }
0x3f: {  	s17 =	simm.s32 $0x0;
	[sflag:s10] =	ssyncadd.s32 $0xFFFFFC00  }
0x40: {  	v10 =	vld [tilespmem:s17+$0x0]  }
0x41: {  	v11 =	vld [tilespmem:s17+$0x400]  }
0x42: {  	v12 =	vld [tilespmem:s17+$0x800]  }
0x43: {  	v13 =	vld [tilespmem:s17+$0xC00];
	_ =	sdelay $0x1  }
0x44: {  	s18 =	simm.s32 $0x10  }
0x45: {  	v8 =	vld [tilespmem:s18+$0x0]  }
0x46: {  	v7 =	vld [tilespmem:s18+$0x400]  }
0x47: {  	v9 =	vld [tilespmem:s18+$0x800];
	v14 =	vsub.f32 v10, v12;
	v15 =	vsub.f32 v11, v13  }
0x48: {  	v12 =	vadd.f32 v12, v10;
	v10 =	vld [tilespmem:s18+$0xC00]  }
0x49: {  	s19 =	simm.s32 $0x80;
	v11 =	vadd.f32 v13, v11;
	vm0 =	vle.f32 v14, v5;
	vm1 =	vle.f32 v15, v4  }
.LBB2_4:
0x4a: {  	s20 =	sshra.s32 s19, $0x2;
	vm2 =	vge.f32 v12, v2;
	vm0 =	vmand vm0, vm1;
	v12 =	vmov v8;
	p0 =	sne.s32 s19, $0xFC0  }
.Ltmp1:
0x4b: {  	v8 =	vld [tilespmem:s20+$0x0];
	vm0 =	vmand vm0, vm2;
	vm1 =	vge.f32 v11, v1;
	v11 =	vmov v7;
	(pc) =	sbr.rel @p0 .LBB2_4-.Ltmp1, $4  }
0x4c: {  	v7 =	vld [tilespmem:s20+$0x400];
	vm0 =	vmand vm1, vm0;
	v13 =	vmov v9  }
0x4d: {  	s19 =	sadd.s32 $0x40, s19;
	v9 =	vld [tilespmem:s20+$0x800];
	v14 =	vsub.f32 v12, v13;
	v15 =	vsub.f32 v11, v10;
	v16 =	vsel vm0, $0x1, v6;
	v17 =	vmovc v10  }
0x4e: {  	v12 =	vadd.f32 v13, v12;
	v10 =	vld [tilespmem:s20+$0xC00];
	[tilespmem:s17+$0x1000] =	vst v16;
	s17 =	smov.u32 s18;
	s18 =	smov.u32 s20  }
0x4f: {  	v11 =	vadd.f32 v17, v11;
	vm0 =	vle.f32 v14, v5;
	vm1 =	vle.f32 v15, v4  }
0x50: {  	_ =	sdelay $0x1  }
0x51: {  	vm2 =	vge.f32 v12, v2  }
0x52: {  	vm0 =	vmand vm0, vm1;
	v63 =	vsub.f32 v8, v9;
	v13 =	vsub.f32 v7, v10  }
0x53: {  	vm0 =	vmand vm0, vm2;
	v8 =	vadd.f32 v9, v8  }
0x54: {  	v7 =	vadd.f32 v10, v7;
	vm11 =	vle.f32 v63, v5;
	vm12 =	vle.f32 v13, v4  }
0x55: {  	vm3 =	vge.f32 v11, v1;
	vm13 =	vge.f32 v8, v2;
	vm1 =	vmand vm11, vm12  }
0x56: {  	vm0 =	vmand vm3, vm0;
	vm14 =	vge.f32 v7, v1;
	vm1 =	vmand vm1, vm13  }
0x57: {  	s16 =	sadd.s32 $0x1, s16;
	v7 =	vsel vm0, $0x1, v6;
	vm15 =	vmand vm14, vm1  }
0x58: {  	p0 =	sne.s32 s16, s9;
	[tilespmem:s17+$0x1000] =	vst v7;
	v7 =	vsel vm15, $0x1, v6  }
.Ltmp2:
0x59: {  	[tilespmem:s18+$0x1000] =	vst v7;
	(pc) =	sbr.rel @p0 .LBB2_1-.Ltmp2, $4  }
0x5a: {  	[hbm4b:s8+s14] =	stream.strided.scatter [tilespmem:s15], [sflag:$0x1], $0x400, s11, s14, $0x38;
	[tilespmem:$0x1400] =	vst v63  }
0x5b: {  	_ =	swait.ge [sflag:s10], $0x400  }
0x5c: {  	[sflag:s10] =	ssyncset.done $0x0  }
0x5d: {  	[sflag:s10] =	ssyncadd.s32 $0xFFFFFC00  }
0x5e: {  	_ =	sfence.sel $0x180000  }
0x5f: {  	[bflag:$0x0] =	sbarrier.arrive $0xFFFF  }
0x60: {  	p0 =	sne.s32 s2, $0x0;
	_ =	strace $0x90000047  }
0x61: {  	s0 =	sadd.s32 @!p0 $0x100000, s0;
	[bflag:$0x2] =	sbarrier.arrive $0xFFFF  }
0x62: {  	[sflag:s0] =	ssyncadd.tile.s32 @!p0 $0x1;
	_ =	shalt  }
.Lfunc_end2:
_tile_overlayer_lowered:
.L_overlay_start_2:
0x63: {  	(tag) =	ssettag $0x2  }
0x64: {  	s0 =	rddreg [dreg:$0x0];
	s2 =	stileid.u32  }
0x65: {  	s1 =	rddreg [dreg:$0x1];
	p0 =	sne.s32 s2, $0x0  }
0x66: {  	s3 =	rddreg [dreg:$0x2];
	[bflag:$0x3] =	sbarrier.arrive $0xFFFF;
	s2 =	simm.s32 @!p0 $0x1C01  }
0x67: {  	[timem:s3], [sflag:s2] =	dma.local @!p0 [hbm:s0], s1  }
0x68: {  	s0 =	simm.s32 @!p0 $0x1  }
0x69: {  	_ =	swait.ge @!p0 [sflag:s0], s1  }
0x6a: {  	s1 =	ssub.s32 @!p0 $0x0, s1;
	[sflag:s0] =	ssyncset.done @!p0 $0x0  }
0x6b: {  	[sflag:s0] =	ssyncadd.s32 @!p0 s1  }
0x6c: {  	[bflag:$0x3] =	sbarrier.arrive $0xFFFF  }
0x6d: {  	_ =	shalt  }

</sc_bundles>
